<compile_context>
chip_gen: v7x
topology: tpu7x:2x2x1
jax: 0.10.2.dev20260603
libtpu: 0.0.44.dev20260713+nightly
codegen_flags: <defaults>
</compile_context>

<pallas_src>
import functools

import jax
import jax.numpy as jnp
from jax import lax
from jax.experimental import pallas as pl
from jax.experimental.pallas import tpu as pltpu
from jax.experimental.pallas import tpu_sc as plsc

N = 100000
E = 1600000
H = 32
HH = 16
OUT = 128
G = 64
EPS = 1e-5

NC = 2
NS = 16
NW = NC * NS
NPAD = 100352
RPT = NPAD // NS
EC = 2000
EC3 = 1000
EPW = E // NW
EPT = E // NS

BLK = 12544
GRID2 = NPAD // BLK


@functools.lru_cache(maxsize=None)
def _build_sc():
  mesh = plsc.VectorSubcoreMesh(
      core_axis_name="c", subcore_axis_name="s",
      num_cores=NC, num_subcores=NS)

  @functools.partial(
      pl.kernel,
      out_type=jax.ShapeDtypeStruct((NC * NPAD,), jnp.float32),
      mesh=mesh,
      scratch_types=[
          pltpu.VMEM((EC,), jnp.float32),
          pltpu.VMEM((EC,), jnp.int32),
          pltpu.VMEM_SHARED((NPAD,), jnp.float32),
      ],
  )
  def sc_deg(dst_hbm, ones_hbm, zeros_hbm, out_hbm, ones_v, idx_v, acc_sh):
    c = lax.axis_index("c")
    s = lax.axis_index("s")
    w = c * NS + s
    pltpu.sync_copy(ones_hbm, ones_v)
    pltpu.sync_copy(zeros_hbm.at[pl.ds(s * RPT, RPT)],
                    acc_sh.at[pl.ds(s * RPT, RPT)])
    plsc.subcore_barrier()

    def body(j, carry):
      base = pl.multiple_of(w * EPW + j * EC, EC)
      pltpu.sync_copy(dst_hbm.at[pl.ds(base, EC)], idx_v)
      pltpu.sync_copy(ones_v, acc_sh.at[idx_v], add=True)
      return carry

    lax.fori_loop(0, EPW // EC, body, 0)
    plsc.subcore_barrier()
    pltpu.sync_copy(acc_sh.at[pl.ds(s * RPT, RPT)],
                    out_hbm.at[pl.ds(c * NPAD + s * RPT, RPT)])

  @functools.partial(
      pl.kernel,
      out_type=jax.ShapeDtypeStruct((NC * NPAD,), jnp.float32),
      mesh=mesh,
      compiler_params=pltpu.CompilerParams(needs_layout_passes=False),
      scratch_types=[
          pltpu.VMEM((NPAD,), jnp.float32),
          pltpu.VMEM((EC,), jnp.int32),
          pltpu.VMEM((EC,), jnp.int32),
          pltpu.VMEM((EC,), jnp.float32),
          pltpu.VMEM_SHARED((NPAD,), jnp.float32),
      ],
  )
  def sc_t(src_hbm, dst_hbm, c_hbm, zeros_hbm, out_hbm,
           c_v, sidx_v, didx_v, vals_v, acc_sh):
    c = lax.axis_index("c")
    s = lax.axis_index("s")
    w = c * NS + s
    pltpu.sync_copy(c_hbm, c_v)
    pltpu.sync_copy(zeros_hbm.at[pl.ds(s * RPT, RPT)],
                    acc_sh.at[pl.ds(s * RPT, RPT)])
    plsc.subcore_barrier()

    def chunk(j, carry):
      base = pl.multiple_of(w * EPW + j * EC, EC)
      pltpu.sync_copy(src_hbm.at[pl.ds(base, EC)], sidx_v)
      pltpu.sync_copy(dst_hbm.at[pl.ds(base, EC)], didx_v)

      def gat(k, cc):
        idx = sidx_v[pl.ds(k * 16, 16)]
        vals_v[pl.ds(k * 16, 16)] = plsc.load_gather(c_v, [idx])
        return cc

      lax.fori_loop(0, EC // 16, gat, 0)
      pltpu.sync_copy(vals_v, acc_sh.at[didx_v], add=True)
      return carry

    lax.fori_loop(0, EPW // EC, chunk, 0)
    plsc.subcore_barrier()
    pltpu.sync_copy(acc_sh.at[pl.ds(s * RPT, RPT)],
                    out_hbm.at[pl.ds(c * NPAD + s * RPT, RPT)])

  @functools.partial(
      pl.kernel,
      out_type=jax.ShapeDtypeStruct((NC * NPAD, HH), jnp.float32),
      mesh=mesh,
      compiler_params=pltpu.CompilerParams(use_tc_tiling_on_sc=False),
      scratch_types=[
          pltpu.VMEM((EC3,), jnp.int32),
          pltpu.VMEM((EC3,), jnp.int32),
          pltpu.VMEM((EC3, HH), jnp.float32),
          pltpu.VMEM_SHARED((NPAD, HH), jnp.float32),
          pltpu.SemaphoreType.DMA,
      ],
  )
  def sc_s2(src_hbm, dst_hbm, u2_hbm, zeros16_hbm, out_hbm,
            sidx_v, didx_v, rows_v, acc_sh, sem):
    c = lax.axis_index("c")
    s = lax.axis_index("s")
    off = c * NPAD
    pltpu.sync_copy(zeros16_hbm.at[pl.ds(s * RPT, RPT)],
                    acc_sh.at[pl.ds(s * RPT, RPT)])
    plsc.subcore_barrier()

    def chunk(j, carry):
      base = pl.multiple_of(s * EPT + j * EC3, EC3)
      pltpu.sync_copy(src_hbm.at[pl.ds(base, EC3)], sidx_v)
      pltpu.sync_copy(dst_hbm.at[pl.ds(base, EC3)], didx_v)

      def adj(k, cc):
        sidx_v[pl.ds(k * 16, 16)] = sidx_v[pl.ds(k * 16, 16)] + off
        return cc

      lax.fori_loop(0, EC3 // 16, adj, 0)
      pltpu.async_copy(u2_hbm.at[sidx_v], rows_v, sem).wait()
      pltpu.sync_copy(rows_v, acc_sh.at[didx_v], add=True)
      return carry

    lax.fori_loop(0, EPT // EC3, chunk, 0)
    plsc.subcore_barrier()
    pltpu.sync_copy(acc_sh.at[pl.ds(s * RPT, RPT)],
                    out_hbm.at[pl.ds(c * NPAD + s * RPT, RPT)])

  return sc_deg, sc_t, sc_s2


def _sc_deg(dst, onesc, zeros):
  return _build_sc()[0](dst, onesc, zeros)


def _sc_t(src, dst, cvec, zeros):
  return _build_sc()[1](src, dst, cvec, zeros)


def _sc_s2(src, dst, u2, zeros16):
  return _build_sc()[2](src, dst, u2, zeros16)


def _t1_body(i0_ref, i1_ref, x_ref, dinv_ref, c_ref):
  deg = i0_ref[...] + i1_ref[...] + 1.0
  dinv = lax.rsqrt(deg)
  dinv_ref[...] = dinv
  c_ref[...] = dinv * x_ref[...]


def _t2_body(t0_ref, t1_ref, c_ref, dinv_ref,
             w1_ref, b1_ref, g1_ref, be1_ref, w2_ref,
             u2_ref, sa_scr, sq_scr):
  p = pl.program_id(0)
  aT = dinv_ref[...] * (t0_ref[...] + t1_ref[...] + c_ref[...])

  @pl.when((p == 0) & (pl.program_id(1) == 0))
  def _():
    sa_scr[...] = jnp.zeros_like(sa_scr)
    sq_scr[...] = jnp.zeros_like(sq_scr)

  @pl.when(p == 0)
  def _():
    sa_scr[...] += jnp.sum(aT).reshape(1, 1)
    sq_scr[...] += jnp.sum(aT * aT).reshape(1, 1)

  @pl.when(p == 1)
  def _():
    mean = sa_scr[0, 0] / N
    var = sq_scr[0, 0] / N - mean * mean
    w1c = w1_ref[...]
    mu1 = mean * w1c + b1_ref[...]
    inv1 = lax.rsqrt(var * (w1c * w1c) + EPS)
    conv1 = aT * w1c + b1_ref[...]
    h1 = jnp.maximum(g1_ref[...] * (conv1 - mu1) * inv1 + be1_ref[...], 0.0)
    dn = (((0,), (0,)), ((), ()))
    u2 = dinv_ref[...] * lax.dot_general(
        w2_ref[...], h1, dimension_numbers=dn,
        preferred_element_type=jnp.float32)
    u2_ref[0] = u2[:HH, :]
    u2_ref[1] = u2[HH:, :]


def _t3_body(s2_ref, u2_ref, dinv_ref, bat_ref,
             b2_ref, g2_ref, be2_ref, wl_ref, bl_ref, wo_ref, bo_ref,
             out_ref, cs_scr, cq_scr, ps_scr, cnt_scr):
  p = pl.program_id(0)
  j = pl.program_id(1)
  x = jnp.concatenate([s2_ref[0] + u2_ref[0], s2_ref[1] + u2_ref[1]], axis=0)
  conv2 = dinv_ref[...] * x + b2_ref[...]

  @pl.when((p == 0) & (j == 0))
  def _():
    cs_scr[...] = jnp.zeros_like(cs_scr)
    cq_scr[...] = jnp.zeros_like(cq_scr)
    ps_scr[...] = jnp.zeros_like(ps_scr)
    cnt_scr[...] = jnp.zeros_like(cnt_scr)

  @pl.when(p == 0)
  def _():
    node = lax.broadcasted_iota(jnp.int32, (1, BLK), 1) + j * BLK
    cm = jnp.where(node < N, conv2, 0.0)
    cs_scr[...] += jnp.sum(cm, axis=1, keepdims=True)
    cq_scr[...] += jnp.sum(cm * cm, axis=1, keepdims=True)

  @pl.when(p == 1)
  def _():
    mean = cs_scr[...] / N
    var = cq_scr[...] / N - mean * mean
    h2 = jnp.maximum(
        g2_ref[...] * (conv2 - mean) * lax.rsqrt(var + EPS) + be2_ref[...],
        0.0)
    onehot = (lax.broadcasted_iota(jnp.int32, (G, BLK), 0)
              == bat_ref[...]).astype(jnp.float32)
    dn = (((1,), (1,)), ((), ()))
    ps_scr[...] += lax.dot_general(h2, onehot, dimension_numbers=dn,
                                   preferred_element_type=jnp.float32)
    cnt_scr[...] += lax.dot_general(jnp.ones((1, BLK), jnp.float32), onehot,
                                    dimension_numbers=dn,
                                    preferred_element_type=jnp.float32)

  @pl.when((p == 1) & (j == GRID2 - 1))
  def _():
    pooled = ps_scr[...] / jnp.maximum(cnt_scr[...], 1.0)
    dn0 = (((0,), (0,)), ((), ()))
    hh = jnp.maximum(
        lax.dot_general(pooled, wl_ref[...], dimension_numbers=dn0,
                        preferred_element_type=jnp.float32) + bl_ref[...],
        0.0)
    out_ref[...] = (jnp.dot(hh, wo_ref[...],
                            preferred_element_type=jnp.float32) + bo_ref[...])


def _row():
  return pl.BlockSpec((1, BLK), lambda p, j: (0, j))


def _halfT():
  return pl.BlockSpec((NC, HH, BLK), lambda p, j: (0, 0, j))


def _full(shape):
  return pl.BlockSpec(shape, lambda p, j: tuple(0 for _ in shape))


def kernel(x, edge_index, batch, W1, b1, g1, be1, W2, b2, g2, be2,
           Wl, bl, Wo, bo):
  src = edge_index[0]
  dst = edge_index[1]
  xp = jnp.pad(x[:, 0], (0, NPAD - N)).reshape(1, NPAD)
  batp = jnp.pad(batch, (0, NPAD - N), constant_values=G).reshape(1, NPAD)
  zeros = jnp.zeros((NPAD,), jnp.float32)
  zeros16 = jnp.zeros((NPAD, HH), jnp.float32)
  onesc = jnp.ones((EC,), jnp.float32)

  indeg = _sc_deg(dst, onesc, zeros)
  i0 = indeg[:NPAD].reshape(1, NPAD)
  i1 = indeg[NPAD:].reshape(1, NPAD)

  r1 = pl.BlockSpec((1, BLK), lambda j: (0, j))
  dinv, cvec = pl.pallas_call(
      _t1_body,
      grid=(GRID2,),
      in_specs=[r1, r1, r1],
      out_specs=[r1, r1],
      out_shape=[jax.ShapeDtypeStruct((1, NPAD), jnp.float32)] * 2,
  )(i0, i1, xp)

  tpart = _sc_t(src, dst, cvec.reshape(NPAD), zeros)
  t0 = tpart[:NPAD].reshape(1, NPAD)
  t1 = tpart[NPAD:].reshape(1, NPAD)

  u2T = pl.pallas_call(
      _t2_body,
      grid=(2, GRID2),
      in_specs=[_row(), _row(), _row(), _row(),
                _full((H, 1)), _full((H, 1)), _full((H, 1)), _full((H, 1)),
                _full((H, H))],
      out_specs=_halfT(),
      out_shape=jax.ShapeDtypeStruct((NC, HH, NPAD), jnp.float32),
      scratch_shapes=[pltpu.VMEM((1, 1), jnp.float32),
                      pltpu.VMEM((1, 1), jnp.float32)],
  )(t0, t1, cvec, dinv, W1.reshape(H, 1), b1.reshape(H, 1), g1.reshape(H, 1),
    be1.reshape(H, 1), W2)

  u2 = u2T.transpose(0, 2, 1).reshape(NC * NPAD, HH)
  s2 = _sc_s2(src, dst, u2, zeros16)
  s2T = s2.reshape(NC, NPAD, HH).transpose(0, 2, 1)

  out = pl.pallas_call(
      _t3_body,
      grid=(2, GRID2),
      in_specs=[_halfT(), _halfT(), _row(), _row(),
                _full((H, 1)), _full((H, 1)), _full((H, 1)),
                _full((H, H)), _full((1, H)), _full((H, OUT)),
                _full((1, OUT))],
      out_specs=_full((G, OUT)),
      out_shape=jax.ShapeDtypeStruct((G, OUT), jnp.float32),
      scratch_shapes=[pltpu.VMEM((H, 1), jnp.float32),
                      pltpu.VMEM((H, 1), jnp.float32),
                      pltpu.VMEM((H, G), jnp.float32),
                      pltpu.VMEM((1, G), jnp.float32)],
  )(s2T, u2T, dinv, batp, b2.reshape(H, 1), g2.reshape(H, 1),
    be2.reshape(H, 1), Wl, bl.reshape(1, H), Wo, bo.reshape(1, OUT))
  return out

# --- scband reference (transcript-rebuilt; emitter-appended) ---
"""Pipeline reference for scband-gcn-2903397892205 (READ-ONLY COPY).

The authoritative reference and input builder live on the scoring server;
editing this copy changes nothing except your own understanding.
"""

import jax, jax.numpy as jnp
import numpy as np

N = 100000
E = 1600000
H = 32
OUT = 128
G = 64
EPS = 1e-5


def setup_inputs(seed: int = 0) -> dict:
    key = jax.random.key(seed)
    ks = jax.random.split(key, 16)
    x = jax.random.normal(ks[0], (N, 1), dtype=jnp.float32)
    edge_index = jax.random.randint(ks[1], (2, E), 0, N, dtype=jnp.int32)
    batch = jnp.sort(jax.random.randint(ks[2], (N,), 0, G, dtype=jnp.int32))
    s1 = 1.0 / np.sqrt(1.0)
    s2 = 1.0 / np.sqrt(H)
    W1 = jax.random.uniform(ks[3], (1, H), jnp.float32, -s1, s1)
    b1 = jnp.zeros((H,), jnp.float32)
    g1 = jnp.ones((H,), jnp.float32)
    be1 = jnp.zeros((H,), jnp.float32)
    W2 = jax.random.uniform(ks[4], (H, H), jnp.float32, -s2, s2)
    b2 = jnp.zeros((H,), jnp.float32)
    g2 = jnp.ones((H,), jnp.float32)
    be2 = jnp.zeros((H,), jnp.float32)
    Wl = jax.random.uniform(ks[5], (H, H), jnp.float32, -s2, s2)
    bl = jax.random.uniform(ks[6], (H,), jnp.float32, -s2, s2)
    Wo = jax.random.uniform(ks[7], (H, OUT), jnp.float32, -s2, s2)
    bo = jax.random.uniform(ks[8], (OUT,), jnp.float32, -s2, s2)
    return {"x": x, "edge_index": edge_index, "batch": batch,
            "W1": W1, "b1": b1, "g1": g1, "be1": be1,
            "W2": W2, "b2": b2, "g2": g2, "be2": be2,
            "Wl": Wl, "bl": bl, "Wo": Wo, "bo": bo}


def _gcn_conv(x, edge_index, W, b):
    # PyG GCNConv: add self-loops, symmetric deg^-1/2 normalization, linear, scatter-add
    loop = jnp.arange(N, dtype=edge_index.dtype)
    src = jnp.concatenate([edge_index[0], loop])
    dst = jnp.concatenate([edge_index[1], loop])
    deg = jax.ops.segment_sum(jnp.ones_like(src, dtype=jnp.float32), dst, num_segments=N)
    dinv = jax.lax.rsqrt(jnp.maximum(deg, 1.0))
    norm = dinv[src] * dinv[dst]
    h = x @ W
    msg = h[src] * norm[:, None]
    out = jax.ops.segment_sum(msg, dst, num_segments=N)
    return out + b


def _bn(x, gamma, beta):
    mu = jnp.mean(x, axis=0)
    var = jnp.var(x, axis=0)
    return gamma * (x - mu) * jax.lax.rsqrt(var + EPS) + beta


def reference(x, edge_index, batch, W1, b1, g1, be1, W2, b2, g2, be2, Wl, bl, Wo, bo):
    h = jax.nn.relu(_bn(_gcn_conv(x, edge_index, W1, b1), g1, be1))
    h = jax.nn.relu(_bn(_gcn_conv(h, edge_index, W2, b2), g2, be2))
    counts = jax.ops.segment_sum(jnp.ones((N,), jnp.float32), batch, num_segments=G)
    pooled = jax.ops.segment_sum(h, batch, num_segments=G) / jnp.maximum(counts, 1.0)[:, None]
    h = jax.nn.relu(pooled @ Wl + bl)
    out = h @ Wo + bo
    return out


if False:  # reference __main__ guard neutralized (emitter)
    inp = setup_inputs()
    o = reference(**inp)
    print(o.shape)

if __name__ == "__main__":
    import jax
    _d = setup_inputs()
    print(jax.jit(kernel)(*tuple(_d.values())))

</pallas_src>

<mosaic_0001>
#map = affine_map<(d0, d1) -> (0)>
module attributes {stable_mosaic.version = 14 : i64} {
  func.func @sc_deg(%arg0: i32, %arg1: i32, %arg2: memref<1600000xi32, #tpu.memory_space<hbm>>, %arg3: memref<2000xf32, #tpu.memory_space<hbm>>, %arg4: memref<100352xf32, #tpu.memory_space<hbm>>, %arg5: memref<200704xf32, #tpu.memory_space<hbm>>, %arg6: memref<2000xf32, #tpu.memory_space<vmem>>, %arg7: memref<2000xi32, #tpu.memory_space<vmem>>, %arg8: memref<100352xf32, #tpu.memory_space<vmem_shared>>) attributes {dimension_semantics = [#tpu.dimension_semantics<core_parallel>, #tpu.dimension_semantics<subcore_parallel>], iteration_bounds = array<i64: 2, 16>, scalar_prefetch = 0 : i64, scratch_operands = 3 : i64, tpu.core_type = #tpu.core_type<sc_vector_subcore>, window_params = [{transform_indices = #map}, {transform_indices = #map}, {transform_indices = #map}, {transform_indices = #map}]} {
    %mul3A = arith.constant 16 : i32
    %mul3A_0 = arith.muli %arg0, %mul3A : i32
    %add3A = arith.addi %mul3A_0, %arg1 : i32
    "tpu.region"() ({
      %run_scoped3A = tpu.sem_alloc : memref<!tpu.dma_semaphore, #tpu.memory_space<semaphore_mem>>
      tpu.enqueue_dma source(%arg3 : memref<2000xf32, #tpu.memory_space<hbm>>) target(%arg6 : memref<2000xf32, #tpu.memory_space<vmem>>) target_semaphore(%run_scoped3A : memref<!tpu.dma_semaphore, #tpu.memory_space<semaphore_mem>>)
      tpu.wait_dma2 semaphore(%run_scoped3A : memref<!tpu.dma_semaphore, #tpu.memory_space<semaphore_mem>>) src(%arg3 : memref<2000xf32, #tpu.memory_space<hbm>>) dst(%arg6 : memref<2000xf32, #tpu.memory_space<vmem>>)
      tpu.yield
    }) : () -> ()
    %mul3A_1 = arith.constant 6272 : i32
    %mul3A_2 = arith.muli %arg1, %mul3A_1 : i32
    %mul3A_3 = arith.constant 6272 : i32
    %mul3A_4 = arith.muli %arg1, %mul3A_3 : i32
    "tpu.region"() ({
      %run_scoped3A = tpu.sem_alloc : memref<!tpu.dma_semaphore, #tpu.memory_space<semaphore_mem>>
      %dma_start3A = tpu.memref_slice %arg8[%mul3A_4] : memref<100352xf32, #tpu.memory_space<vmem_shared>> -> memref<6272xf32, #tpu.memory_space<vmem_shared>>
      %dma_start3A_18 = tpu.memref_slice %arg4[%mul3A_2] : memref<100352xf32, #tpu.memory_space<hbm>> -> memref<6272xf32, #tpu.memory_space<hbm>>
      tpu.enqueue_dma source(%dma_start3A_18 : memref<6272xf32, #tpu.memory_space<hbm>>) target(%dma_start3A : memref<6272xf32, #tpu.memory_space<vmem_shared>>) target_semaphore(%run_scoped3A : memref<!tpu.dma_semaphore, #tpu.memory_space<semaphore_mem>>)
      %dma_wait3A = tpu.memref_slice %arg8[%mul3A_4] : memref<100352xf32, #tpu.memory_space<vmem_shared>> -> memref<6272xf32, #tpu.memory_space<vmem_shared>>
      %dma_wait3A_19 = tpu.memref_slice %arg4[%mul3A_2] : memref<100352xf32, #tpu.memory_space<hbm>> -> memref<6272xf32, #tpu.memory_space<hbm>>
      tpu.wait_dma2 semaphore(%run_scoped3A : memref<!tpu.dma_semaphore, #tpu.memory_space<semaphore_mem>>) src(%dma_wait3A_19 : memref<6272xf32, #tpu.memory_space<hbm>>) dst(%dma_wait3A : memref<6272xf32, #tpu.memory_space<vmem_shared>>)
      tpu.yield
    }) : () -> ()
    %barrier3A = arith.constant 0 : index
    tpu.barrier barrier_id(%barrier3A)
    %scan3A = arith.constant 0 : i32
    %scan3A_5 = arith.constant 0 : i32
    %scan3A_6 = arith.constant 25 : i32
    %scan3A_7 = arith.addi %scan3A_5, %scan3A_6 : i32
    %scan3A_8 = arith.constant 1 : i32
    scf.for %scan3A_18 = %scan3A_5 to %scan3A_7 step %scan3A_8  : i32 {
      %mul3A_19 = arith.constant 50000 : i32
      %mul3A_20 = arith.muli %add3A, %mul3A_19 : i32
      %mul3A_21 = arith.constant 2000 : i32
      %mul3A_22 = arith.muli %scan3A_18, %mul3A_21 : i32
      %add3A_23 = arith.addi %mul3A_20, %mul3A_22 : i32
      %multiple_of3A = tpu.assume_multiple %add3A_23, 2000 : i32
      "tpu.region"() ({
        %run_scoped3A = tpu.sem_alloc : memref<!tpu.dma_semaphore, #tpu.memory_space<semaphore_mem>>
        %dma_start3A = tpu.memref_slice %arg2[%multiple_of3A] : memref<1600000xi32, #tpu.memory_space<hbm>> -> memref<2000xi32, #tpu.memory_space<hbm>>
        %dma_start3A_24 = tpu.memref_slice %arg2[%multiple_of3A] : memref<1600000xi32, #tpu.memory_space<hbm>> -> memref<2000xi32, #tpu.memory_space<hbm>>
        tpu.enqueue_dma source(%dma_start3A_24 : memref<2000xi32, #tpu.memory_space<hbm>>) target(%arg7 : memref<2000xi32, #tpu.memory_space<vmem>>) target_semaphore(%run_scoped3A : memref<!tpu.dma_semaphore, #tpu.memory_space<semaphore_mem>>)
        %dma_wait3A = tpu.memref_slice %arg2[%multiple_of3A] : memref<1600000xi32, #tpu.memory_space<hbm>> -> memref<2000xi32, #tpu.memory_space<hbm>>
        %dma_wait3A_25 = tpu.memref_slice %arg2[%multiple_of3A] : memref<1600000xi32, #tpu.memory_space<hbm>> -> memref<2000xi32, #tpu.memory_space<hbm>>
        tpu.wait_dma2 semaphore(%run_scoped3A : memref<!tpu.dma_semaphore, #tpu.memory_space<semaphore_mem>>) src(%dma_wait3A_25 : memref<2000xi32, #tpu.memory_space<hbm>>) dst(%arg7 : memref<2000xi32, #tpu.memory_space<vmem>>)
        tpu.yield
      }) : () -> ()
      "tpu.region"() ({
        %run_scoped3A = tpu.sem_alloc : memref<!tpu.dma_semaphore, #tpu.memory_space<semaphore_mem>>
        %dma_start3A = arith.constant 0 : i32
        %dma_start3A_24 = tpu.memref_slice %arg8[%dma_start3A] : memref<100352xf32, #tpu.memory_space<vmem_shared>> -> memref<100352xf32, #tpu.memory_space<vmem_shared>>
        tpu.enqueue_indirect_dma source(%arg6 : memref<2000xf32, #tpu.memory_space<vmem>>) target(%dma_start3A_24 : memref<100352xf32, #tpu.memory_space<vmem_shared>>) offsets(%arg7 : memref<2000xi32, #tpu.memory_space<vmem>>) semaphore(%run_scoped3A : memref<!tpu.dma_semaphore, #tpu.memory_space<semaphore_mem>>) {add = true}
        %dma_wait3A = arith.constant 0 : i32
        %dma_wait3A_25 = tpu.memref_slice %arg8[%dma_wait3A] : memref<100352xf32, #tpu.memory_space<vmem_shared>> -> memref<100352xf32, #tpu.memory_space<vmem_shared>>
        tpu.wait_indirect_dma semaphore(%run_scoped3A : memref<!tpu.dma_semaphore, #tpu.memory_space<semaphore_mem>>) src(%arg6 : memref<2000xf32, #tpu.memory_space<vmem>>) dst(%dma_wait3A_25 : memref<100352xf32, #tpu.memory_space<vmem_shared>>)
        tpu.yield
      }) : () -> ()
    }
    %scan3A_9 = arith.constant 25 : i32
    %barrier3A_10 = arith.constant 0 : index
    tpu.barrier barrier_id(%barrier3A_10)
    %mul3A_11 = arith.constant 6272 : i32
    %mul3A_12 = arith.muli %arg1, %mul3A_11 : i32
    %mul3A_13 = arith.constant 100352 : i32
    %mul3A_14 = arith.muli %arg0, %mul3A_13 : i32
    %mul3A_15 = arith.constant 6272 : i32
    %mul3A_16 = arith.muli %arg1, %mul3A_15 : i32
    %add3A_17 = arith.addi %mul3A_14, %mul3A_16 : i32
    "tpu.region"() ({
      %run_scoped3A = tpu.sem_alloc : memref<!tpu.dma_semaphore, #tpu.memory_space<semaphore_mem>>
      %dma_start3A = tpu.memref_slice %arg5[%add3A_17] : memref<200704xf32, #tpu.memory_space<hbm>> -> memref<6272xf32, #tpu.memory_space<hbm>>
      %dma_start3A_18 = tpu.memref_slice %arg8[%mul3A_12] : memref<100352xf32, #tpu.memory_space<vmem_shared>> -> memref<6272xf32, #tpu.memory_space<vmem_shared>>
      tpu.enqueue_dma source(%dma_start3A_18 : memref<6272xf32, #tpu.memory_space<vmem_shared>>) target(%dma_start3A : memref<6272xf32, #tpu.memory_space<hbm>>) target_semaphore(%run_scoped3A : memref<!tpu.dma_semaphore, #tpu.memory_space<semaphore_mem>>)
      %dma_wait3A = tpu.memref_slice %arg5[%add3A_17] : memref<200704xf32, #tpu.memory_space<hbm>> -> memref<6272xf32, #tpu.memory_space<hbm>>
      %dma_wait3A_19 = tpu.memref_slice %arg8[%mul3A_12] : memref<100352xf32, #tpu.memory_space<vmem_shared>> -> memref<6272xf32, #tpu.memory_space<vmem_shared>>
      tpu.wait_dma2 semaphore(%run_scoped3A : memref<!tpu.dma_semaphore, #tpu.memory_space<semaphore_mem>>) src(%dma_wait3A_19 : memref<6272xf32, #tpu.memory_space<vmem_shared>>) dst(%dma_wait3A : memref<6272xf32, #tpu.memory_space<hbm>>)
      tpu.yield
    }) : () -> ()
    return
  }
}

#map = affine_map<(d0, d1) -> (0)>
module attributes {stable_mosaic.version = 14 : i64} {
  func.func @sc_t(%arg0: i32, %arg1: i32, %arg2: memref<1600000xi32, #tpu.memory_space<hbm>>, %arg3: memref<1600000xi32, #tpu.memory_space<hbm>>, %arg4: memref<100352xf32, #tpu.memory_space<hbm>>, %arg5: memref<100352xf32, #tpu.memory_space<hbm>>, %arg6: memref<200704xf32, #tpu.memory_space<hbm>>, %arg7: memref<100352xf32, #tpu.memory_space<vmem>>, %arg8: memref<2000xi32, #tpu.memory_space<vmem>>, %arg9: memref<2000xi32, #tpu.memory_space<vmem>>, %arg10: memref<2000xf32, #tpu.memory_space<vmem>>, %arg11: memref<100352xf32, #tpu.memory_space<vmem_shared>>) attributes {dimension_semantics = [#tpu.dimension_semantics<core_parallel>, #tpu.dimension_semantics<subcore_parallel>], iteration_bounds = array<i64: 2, 16>, scalar_prefetch = 0 : i64, scratch_operands = 5 : i64, tpu.core_type = #tpu.core_type<sc_vector_subcore>, window_params = [{transform_indices = #map}, {transform_indices = #map}, {transform_indices = #map}, {transform_indices = #map}, {transform_indices = #map}]} {
    %mul3A = arith.constant 16 : i32
    %mul3A_0 = arith.muli %arg0, %mul3A : i32
    %add3A = arith.addi %mul3A_0, %arg1 : i32
    "tpu.region"() ({
      %run_scoped3A = tpu.sem_alloc : memref<!tpu.dma_semaphore, #tpu.memory_space<semaphore_mem>>
      tpu.enqueue_dma source(%arg4 : memref<100352xf32, #tpu.memory_space<hbm>>) target(%arg7 : memref<100352xf32, #tpu.memory_space<vmem>>) target_semaphore(%run_scoped3A : memref<!tpu.dma_semaphore, #tpu.memory_space<semaphore_mem>>)
      tpu.wait_dma2 semaphore(%run_scoped3A : memref<!tpu.dma_semaphore, #tpu.memory_space<semaphore_mem>>) src(%arg4 : memref<100352xf32, #tpu.memory_space<hbm>>) dst(%arg7 : memref<100352xf32, #tpu.memory_space<vmem>>)
      tpu.yield
    }) : () -> ()
    %mul3A_1 = arith.constant 6272 : i32
    %mul3A_2 = arith.muli %arg1, %mul3A_1 : i32
    %mul3A_3 = arith.constant 6272 : i32
    %mul3A_4 = arith.muli %arg1, %mul3A_3 : i32
    "tpu.region"() ({
      %run_scoped3A = tpu.sem_alloc : memref<!tpu.dma_semaphore, #tpu.memory_space<semaphore_mem>>
      %dma_start3A = tpu.memref_slice %arg11[%mul3A_4] : memref<100352xf32, #tpu.memory_space<vmem_shared>> -> memref<6272xf32, #tpu.memory_space<vmem_shared>>
      %dma_start3A_18 = tpu.memref_slice %arg5[%mul3A_2] : memref<100352xf32, #tpu.memory_space<hbm>> -> memref<6272xf32, #tpu.memory_space<hbm>>
      tpu.enqueue_dma source(%dma_start3A_18 : memref<6272xf32, #tpu.memory_space<hbm>>) target(%dma_start3A : memref<6272xf32, #tpu.memory_space<vmem_shared>>) target_semaphore(%run_scoped3A : memref<!tpu.dma_semaphore, #tpu.memory_space<semaphore_mem>>)
      %dma_wait3A = tpu.memref_slice %arg11[%mul3A_4] : memref<100352xf32, #tpu.memory_space<vmem_shared>> -> memref<6272xf32, #tpu.memory_space<vmem_shared>>
      %dma_wait3A_19 = tpu.memref_slice %arg5[%mul3A_2] : memref<100352xf32, #tpu.memory_space<hbm>> -> memref<6272xf32, #tpu.memory_space<hbm>>
      tpu.wait_dma2 semaphore(%run_scoped3A : memref<!tpu.dma_semaphore, #tpu.memory_space<semaphore_mem>>) src(%dma_wait3A_19 : memref<6272xf32, #tpu.memory_space<hbm>>) dst(%dma_wait3A : memref<6272xf32, #tpu.memory_space<vmem_shared>>)
      tpu.yield
    }) : () -> ()
    %barrier3A = arith.constant 0 : index
    tpu.barrier barrier_id(%barrier3A)
    %scan3A = arith.constant 0 : i32
    %scan3A_5 = arith.constant 0 : i32
    %scan3A_6 = arith.constant 25 : i32
    %scan3A_7 = arith.addi %scan3A_5, %scan3A_6 : i32
    %scan3A_8 = arith.constant 1 : i32
    scf.for %scan3A_18 = %scan3A_5 to %scan3A_7 step %scan3A_8  : i32 {
      %mul3A_19 = arith.constant 50000 : i32
      %mul3A_20 = arith.muli %add3A, %mul3A_19 : i32
      %mul3A_21 = arith.constant 2000 : i32
      %mul3A_22 = arith.muli %scan3A_18, %mul3A_21 : i32
      %add3A_23 = arith.addi %mul3A_20, %mul3A_22 : i32
      %multiple_of3A = tpu.assume_multiple %add3A_23, 2000 : i32
      "tpu.region"() ({
        %run_scoped3A = tpu.sem_alloc : memref<!tpu.dma_semaphore, #tpu.memory_space<semaphore_mem>>
        %dma_start3A = tpu.memref_slice %arg2[%multiple_of3A] : memref<1600000xi32, #tpu.memory_space<hbm>> -> memref<2000xi32, #tpu.memory_space<hbm>>
        %dma_start3A_30 = tpu.memref_slice %arg2[%multiple_of3A] : memref<1600000xi32, #tpu.memory_space<hbm>> -> memref<2000xi32, #tpu.memory_space<hbm>>
        tpu.enqueue_dma source(%dma_start3A_30 : memref<2000xi32, #tpu.memory_space<hbm>>) target(%arg8 : memref<2000xi32, #tpu.memory_space<vmem>>) target_semaphore(%run_scoped3A : memref<!tpu.dma_semaphore, #tpu.memory_space<semaphore_mem>>)
        %dma_wait3A = tpu.memref_slice %arg2[%multiple_of3A] : memref<1600000xi32, #tpu.memory_space<hbm>> -> memref<2000xi32, #tpu.memory_space<hbm>>
        %dma_wait3A_31 = tpu.memref_slice %arg2[%multiple_of3A] : memref<1600000xi32, #tpu.memory_space<hbm>> -> memref<2000xi32, #tpu.memory_space<hbm>>
        tpu.wait_dma2 semaphore(%run_scoped3A : memref<!tpu.dma_semaphore, #tpu.memory_space<semaphore_mem>>) src(%dma_wait3A_31 : memref<2000xi32, #tpu.memory_space<hbm>>) dst(%arg8 : memref<2000xi32, #tpu.memory_space<vmem>>)
        tpu.yield
      }) : () -> ()
      "tpu.region"() ({
        %run_scoped3A = tpu.sem_alloc : memref<!tpu.dma_semaphore, #tpu.memory_space<semaphore_mem>>
        %dma_start3A = tpu.memref_slice %arg3[%multiple_of3A] : memref<1600000xi32, #tpu.memory_space<hbm>> -> memref<2000xi32, #tpu.memory_space<hbm>>
        %dma_start3A_30 = tpu.memref_slice %arg3[%multiple_of3A] : memref<1600000xi32, #tpu.memory_space<hbm>> -> memref<2000xi32, #tpu.memory_space<hbm>>
        tpu.enqueue_dma source(%dma_start3A_30 : memref<2000xi32, #tpu.memory_space<hbm>>) target(%arg9 : memref<2000xi32, #tpu.memory_space<vmem>>) target_semaphore(%run_scoped3A : memref<!tpu.dma_semaphore, #tpu.memory_space<semaphore_mem>>)
        %dma_wait3A = tpu.memref_slice %arg3[%multiple_of3A] : memref<1600000xi32, #tpu.memory_space<hbm>> -> memref<2000xi32, #tpu.memory_space<hbm>>
        %dma_wait3A_31 = tpu.memref_slice %arg3[%multiple_of3A] : memref<1600000xi32, #tpu.memory_space<hbm>> -> memref<2000xi32, #tpu.memory_space<hbm>>
        tpu.wait_dma2 semaphore(%run_scoped3A : memref<!tpu.dma_semaphore, #tpu.memory_space<semaphore_mem>>) src(%dma_wait3A_31 : memref<2000xi32, #tpu.memory_space<hbm>>) dst(%arg9 : memref<2000xi32, #tpu.memory_space<vmem>>)
        tpu.yield
      }) : () -> ()
      %scan3A_24 = arith.constant 0 : i32
      %scan3A_25 = arith.constant 0 : i32
      %scan3A_26 = arith.constant 125 : i32
      %scan3A_27 = arith.addi %scan3A_25, %scan3A_26 : i32
      %scan3A_28 = arith.constant 1 : i32
      scf.for %scan3A_30 = %scan3A_25 to %scan3A_27 step %scan3A_28  : i32 {
        %mul3A_31 = arith.constant 16 : i32
        %mul3A_32 = arith.muli %scan3A_30, %mul3A_31 : i32
        %get3A = arith.index_cast %mul3A_32 : i32 to index
        %get3A_33 = tpu.vector_load %arg8[%get3A] {strides = array<i32>} : memref<2000xi32, #tpu.memory_space<vmem>>, vector<16xi32>,
        %gather3A = tpu.vector_load_idx %arg7[%get3A_33] : memref<100352xf32, #tpu.memory_space<vmem>>[vector<16xi32>], vector<16xf32>,
        %mul3A_34 = arith.constant 16 : i32
        %mul3A_35 = arith.muli %scan3A_30, %mul3A_34 : i32
        %swap3A = arith.index_cast %mul3A_35 : i32 to index
        %swap3A_36 = tpu.vector_load %arg10[%swap3A] {strides = array<i32>} : memref<2000xf32, #tpu.memory_space<vmem>>, vector<16xf32>,
        tpu.vector_store %arg10[%swap3A], %gather3A {strides = array<i32>} : memref<2000xf32, #tpu.memory_space<vmem>>, vector<16xf32>,
      }
      %scan3A_29 = arith.constant 125 : i32
      "tpu.region"() ({
        %run_scoped3A = tpu.sem_alloc : memref<!tpu.dma_semaphore, #tpu.memory_space<semaphore_mem>>
        %dma_start3A = arith.constant 0 : i32
        %dma_start3A_30 = tpu.memref_slice %arg11[%dma_start3A] : memref<100352xf32, #tpu.memory_space<vmem_shared>> -> memref<100352xf32, #tpu.memory_space<vmem_shared>>
        tpu.enqueue_indirect_dma source(%arg10 : memref<2000xf32, #tpu.memory_space<vmem>>) target(%dma_start3A_30 : memref<100352xf32, #tpu.memory_space<vmem_shared>>) offsets(%arg9 : memref<2000xi32, #tpu.memory_space<vmem>>) semaphore(%run_scoped3A : memref<!tpu.dma_semaphore, #tpu.memory_space<semaphore_mem>>) {add = true}
        %dma_wait3A = arith.constant 0 : i32
        %dma_wait3A_31 = tpu.memref_slice %arg11[%dma_wait3A] : memref<100352xf32, #tpu.memory_space<vmem_shared>> -> memref<100352xf32, #tpu.memory_space<vmem_shared>>
        tpu.wait_indirect_dma semaphore(%run_scoped3A : memref<!tpu.dma_semaphore, #tpu.memory_space<semaphore_mem>>) src(%arg10 : memref<2000xf32, #tpu.memory_space<vmem>>) dst(%dma_wait3A_31 : memref<100352xf32, #tpu.memory_space<vmem_shared>>)
        tpu.yield
      }) : () -> ()
    }
    %scan3A_9 = arith.constant 25 : i32
    %barrier3A_10 = arith.constant 0 : index
    tpu.barrier barrier_id(%barrier3A_10)
    %mul3A_11 = arith.constant 6272 : i32
    %mul3A_12 = arith.muli %arg1, %mul3A_11 : i32
    %mul3A_13 = arith.constant 100352 : i32
    %mul3A_14 = arith.muli %arg0, %mul3A_13 : i32
    %mul3A_15 = arith.constant 6272 : i32
    %mul3A_16 = arith.muli %arg1, %mul3A_15 : i32
    %add3A_17 = arith.addi %mul3A_14, %mul3A_16 : i32
    "tpu.region"() ({
      %run_scoped3A = tpu.sem_alloc : memref<!tpu.dma_semaphore, #tpu.memory_space<semaphore_mem>>
      %dma_start3A = tpu.memref_slice %arg6[%add3A_17] : memref<200704xf32, #tpu.memory_space<hbm>> -> memref<6272xf32, #tpu.memory_space<hbm>>
      %dma_start3A_18 = tpu.memref_slice %arg11[%mul3A_12] : memref<100352xf32, #tpu.memory_space<vmem_shared>> -> memref<6272xf32, #tpu.memory_space<vmem_shared>>
      tpu.enqueue_dma source(%dma_start3A_18 : memref<6272xf32, #tpu.memory_space<vmem_shared>>) target(%dma_start3A : memref<6272xf32, #tpu.memory_space<hbm>>) target_semaphore(%run_scoped3A : memref<!tpu.dma_semaphore, #tpu.memory_space<semaphore_mem>>)
      %dma_wait3A = tpu.memref_slice %arg6[%add3A_17] : memref<200704xf32, #tpu.memory_space<hbm>> -> memref<6272xf32, #tpu.memory_space<hbm>>
      %dma_wait3A_19 = tpu.memref_slice %arg11[%mul3A_12] : memref<100352xf32, #tpu.memory_space<vmem_shared>> -> memref<6272xf32, #tpu.memory_space<vmem_shared>>
      tpu.wait_dma2 semaphore(%run_scoped3A : memref<!tpu.dma_semaphore, #tpu.memory_space<semaphore_mem>>) src(%dma_wait3A_19 : memref<6272xf32, #tpu.memory_space<vmem_shared>>) dst(%dma_wait3A : memref<6272xf32, #tpu.memory_space<hbm>>)
      tpu.yield
    }) : () -> ()
    return
  }
}

#map = affine_map<(d0, d1) -> (0)>
#map1 = affine_map<(d0, d1) -> (0, 0)>
module attributes {stable_mosaic.version = 14 : i64} {
  func.func @sc_s2(%arg0: i32, %arg1: i32, %arg2: memref<1600000xi32, #tpu.memory_space<hbm>>, %arg3: memref<1600000xi32, #tpu.memory_space<hbm>>, %arg4: memref<200704x16xf32, #tpu.memory_space<hbm>>, %arg5: memref<100352x16xf32, #tpu.memory_space<hbm>>, %arg6: memref<200704x16xf32, #tpu.memory_space<hbm>>, %arg7: memref<1000xi32, #tpu.memory_space<vmem>>, %arg8: memref<1000xi32, #tpu.memory_space<vmem>>, %arg9: memref<1000x16xf32, #tpu.memory_space<vmem>>, %arg10: memref<100352x16xf32, #tpu.memory_space<vmem_shared>>, %arg11: memref<!tpu.dma_semaphore, #tpu.memory_space<semaphore_mem>>) attributes {dimension_semantics = [#tpu.dimension_semantics<core_parallel>, #tpu.dimension_semantics<subcore_parallel>], iteration_bounds = array<i64: 2, 16>, scalar_prefetch = 0 : i64, scratch_operands = 5 : i64, tpu.core_type = #tpu.core_type<sc_vector_subcore>, window_params = [{transform_indices = #map}, {transform_indices = #map}, {transform_indices = #map1}, {transform_indices = #map1}, {transform_indices = #map1}]} {
    %mul3A = arith.constant 100352 : i32
    %mul3A_0 = arith.muli %arg0, %mul3A : i32
    %mul3A_1 = arith.constant 6272 : i32
    %mul3A_2 = arith.muli %arg1, %mul3A_1 : i32
    %mul3A_3 = arith.constant 6272 : i32
    %mul3A_4 = arith.muli %arg1, %mul3A_3 : i32
    "tpu.region"() ({
      %run_scoped3A = tpu.sem_alloc : memref<!tpu.dma_semaphore, #tpu.memory_space<semaphore_mem>>
      %dma_start3A = arith.constant 0 : i32
      %dma_start3A_17 = tpu.memref_slice %arg10[%mul3A_4, %dma_start3A] : memref<100352x16xf32, #tpu.memory_space<vmem_shared>> -> memref<6272x16xf32, #tpu.memory_space<vmem_shared>>
      %dma_start3A_18 = arith.constant 0 : i32
      %dma_start3A_19 = tpu.memref_slice %arg5[%mul3A_2, %dma_start3A_18] : memref<100352x16xf32, #tpu.memory_space<hbm>> -> memref<6272x16xf32, #tpu.memory_space<hbm>>
      tpu.enqueue_dma source(%dma_start3A_19 : memref<6272x16xf32, #tpu.memory_space<hbm>>) target(%dma_start3A_17 : memref<6272x16xf32, #tpu.memory_space<vmem_shared>>) target_semaphore(%run_scoped3A : memref<!tpu.dma_semaphore, #tpu.memory_space<semaphore_mem>>)
      %dma_wait3A = arith.constant 0 : i32
      %dma_wait3A_20 = tpu.memref_slice %arg10[%mul3A_4, %dma_wait3A] : memref<100352x16xf32, #tpu.memory_space<vmem_shared>> -> memref<6272x16xf32, #tpu.memory_space<vmem_shared>>
      %dma_wait3A_21 = arith.constant 0 : i32
      %dma_wait3A_22 = tpu.memref_slice %arg5[%mul3A_2, %dma_wait3A_21] : memref<100352x16xf32, #tpu.memory_space<hbm>> -> memref<6272x16xf32, #tpu.memory_space<hbm>>
      tpu.wait_dma2 semaphore(%run_scoped3A : memref<!tpu.dma_semaphore, #tpu.memory_space<semaphore_mem>>) src(%dma_wait3A_22 : memref<6272x16xf32, #tpu.memory_space<hbm>>) dst(%dma_wait3A_20 : memref<6272x16xf32, #tpu.memory_space<vmem_shared>>)
      tpu.yield
    }) : () -> ()
    %barrier3A = arith.constant 0 : index
    tpu.barrier barrier_id(%barrier3A)
    %scan3A = arith.constant 0 : i32
    %scan3A_5 = arith.constant 0 : i32
    %scan3A_6 = arith.constant 100 : i32
    %scan3A_7 = arith.addi %scan3A_5, %scan3A_6 : i32
    %scan3A_8 = arith.constant 1 : i32
    scf.for %scan3A_17 = %scan3A_5 to %scan3A_7 step %scan3A_8  : i32 {
      %mul3A_18 = arith.constant 100000 : i32
      %mul3A_19 = arith.muli %arg1, %mul3A_18 : i32
      %mul3A_20 = arith.constant 1000 : i32
      %mul3A_21 = arith.muli %scan3A_17, %mul3A_20 : i32
      %add3A_22 = arith.addi %mul3A_19, %mul3A_21 : i32
      %multiple_of3A = tpu.assume_multiple %add3A_22, 1000 : i32
      "tpu.region"() ({
        %run_scoped3A = tpu.sem_alloc : memref<!tpu.dma_semaphore, #tpu.memory_space<semaphore_mem>>
        %dma_start3A_33 = tpu.memref_slice %arg2[%multiple_of3A] : memref<1600000xi32, #tpu.memory_space<hbm>> -> memref<1000xi32, #tpu.memory_space<hbm>>
        %dma_start3A_34 = tpu.memref_slice %arg2[%multiple_of3A] : memref<1600000xi32, #tpu.memory_space<hbm>> -> memref<1000xi32, #tpu.memory_space<hbm>>
        tpu.enqueue_dma source(%dma_start3A_34 : memref<1000xi32, #tpu.memory_space<hbm>>) target(%arg7 : memref<1000xi32, #tpu.memory_space<vmem>>) target_semaphore(%run_scoped3A : memref<!tpu.dma_semaphore, #tpu.memory_space<semaphore_mem>>)
        %dma_wait3A_35 = tpu.memref_slice %arg2[%multiple_of3A] : memref<1600000xi32, #tpu.memory_space<hbm>> -> memref<1000xi32, #tpu.memory_space<hbm>>
        %dma_wait3A_36 = tpu.memref_slice %arg2[%multiple_of3A] : memref<1600000xi32, #tpu.memory_space<hbm>> -> memref<1000xi32, #tpu.memory_space<hbm>>
        tpu.wait_dma2 semaphore(%run_scoped3A : memref<!tpu.dma_semaphore, #tpu.memory_space<semaphore_mem>>) src(%dma_wait3A_36 : memref<1000xi32, #tpu.memory_space<hbm>>) dst(%arg7 : memref<1000xi32, #tpu.memory_space<vmem>>)
        tpu.yield
      }) : () -> ()
      "tpu.region"() ({
        %run_scoped3A = tpu.sem_alloc : memref<!tpu.dma_semaphore, #tpu.memory_space<semaphore_mem>>
        %dma_start3A_33 = tpu.memref_slice %arg3[%multiple_of3A] : memref<1600000xi32, #tpu.memory_space<hbm>> -> memref<1000xi32, #tpu.memory_space<hbm>>
        %dma_start3A_34 = tpu.memref_slice %arg3[%multiple_of3A] : memref<1600000xi32, #tpu.memory_space<hbm>> -> memref<1000xi32, #tpu.memory_space<hbm>>
        tpu.enqueue_dma source(%dma_start3A_34 : memref<1000xi32, #tpu.memory_space<hbm>>) target(%arg8 : memref<1000xi32, #tpu.memory_space<vmem>>) target_semaphore(%run_scoped3A : memref<!tpu.dma_semaphore, #tpu.memory_space<semaphore_mem>>)
        %dma_wait3A_35 = tpu.memref_slice %arg3[%multiple_of3A] : memref<1600000xi32, #tpu.memory_space<hbm>> -> memref<1000xi32, #tpu.memory_space<hbm>>
        %dma_wait3A_36 = tpu.memref_slice %arg3[%multiple_of3A] : memref<1600000xi32, #tpu.memory_space<hbm>> -> memref<1000xi32, #tpu.memory_space<hbm>>
        tpu.wait_dma2 semaphore(%run_scoped3A : memref<!tpu.dma_semaphore, #tpu.memory_space<semaphore_mem>>) src(%dma_wait3A_36 : memref<1000xi32, #tpu.memory_space<hbm>>) dst(%arg8 : memref<1000xi32, #tpu.memory_space<vmem>>)
        tpu.yield
      }) : () -> ()
      %scan3A_23 = arith.constant 0 : i32
      %scan3A_24 = arith.constant 0 : i32
      %scan3A_25 = arith.constant 62 : i32
      %scan3A_26 = arith.addi %scan3A_24, %scan3A_25 : i32
      %scan3A_27 = arith.constant 1 : i32
      scf.for %scan3A_33 = %scan3A_24 to %scan3A_26 step %scan3A_27  : i32 {
        %mul3A_34 = arith.constant 16 : i32
        %mul3A_35 = arith.muli %scan3A_33, %mul3A_34 : i32
        %get3A = arith.index_cast %mul3A_35 : i32 to index
        %get3A_36 = tpu.vector_load %arg7[%get3A] {strides = array<i32>} : memref<1000xi32, #tpu.memory_space<vmem>>, vector<16xi32>,
        %get3A_37 = vector.shape_cast %get3A_36 : vector<16xi32> to vector<16xi32>
        %add3A_38 = vector.broadcast %mul3A_0 : i32 to vector<16xi32>
        %add3A_39 = arith.addi %get3A_37, %add3A_38 : vector<16xi32>
        %mul3A_40 = arith.constant 16 : i32
        %mul3A_41 = arith.muli %scan3A_33, %mul3A_40 : i32
        %swap3A = arith.index_cast %mul3A_41 : i32 to index
        %swap3A_42 = tpu.vector_load %arg7[%swap3A] {strides = array<i32>} : memref<1000xi32, #tpu.memory_space<vmem>>, vector<16xi32>,
        %swap3A_43 = vector.shape_cast %swap3A_42 : vector<16xi32> to vector<16xi32>
        %swap3A_44 = vector.shape_cast %add3A_39 : vector<16xi32> to vector<16xi32>
        tpu.vector_store %arg7[%swap3A], %swap3A_44 {strides = array<i32>} : memref<1000xi32, #tpu.memory_space<vmem>>, vector<16xi32>,
      }
      %scan3A_28 = arith.constant 62 : i32
      %dma_start3A = arith.constant 0 : i32
      %dma_start3A_29 = arith.constant 0 : i32
      %dma_start3A_30 = tpu.memref_slice %arg4[%dma_start3A, %dma_start3A_29] : memref<200704x16xf32, #tpu.memory_space<hbm>> -> memref<200704x16xf32, #tpu.memory_space<hbm>>
      tpu.enqueue_indirect_dma source(%dma_start3A_30 : memref<200704x16xf32, #tpu.memory_space<hbm>>) target(%arg9 : memref<1000x16xf32, #tpu.memory_space<vmem>>) offsets(%arg7 : memref<1000xi32, #tpu.memory_space<vmem>>) semaphore(%arg11 : memref<!tpu.dma_semaphore, #tpu.memory_space<semaphore_mem>>)
      %dma_wait3A = arith.constant 0 : i32
      %dma_wait3A_31 = arith.constant 0 : i32
      %dma_wait3A_32 = tpu.memref_slice %arg4[%dma_wait3A, %dma_wait3A_31] : memref<200704x16xf32, #tpu.memory_space<hbm>> -> memref<200704x16xf32, #tpu.memory_space<hbm>>
      tpu.wait_indirect_dma semaphore(%arg11 : memref<!tpu.dma_semaphore, #tpu.memory_space<semaphore_mem>>) src(%dma_wait3A_32 : memref<200704x16xf32, #tpu.memory_space<hbm>>) dst(%arg9 : memref<1000x16xf32, #tpu.memory_space<vmem>>)
      "tpu.region"() ({
        %run_scoped3A = tpu.sem_alloc : memref<!tpu.dma_semaphore, #tpu.memory_space<semaphore_mem>>
        %dma_start3A_33 = arith.constant 0 : i32
        %dma_start3A_34 = arith.constant 0 : i32
        %dma_start3A_35 = tpu.memref_slice %arg10[%dma_start3A_33, %dma_start3A_34] : memref<100352x16xf32, #tpu.memory_space<vmem_shared>> -> memref<100352x16xf32, #tpu.memory_space<vmem_shared>>
        tpu.enqueue_indirect_dma source(%arg9 : memref<1000x16xf32, #tpu.memory_space<vmem>>) target(%dma_start3A_35 : memref<100352x16xf32, #tpu.memory_space<vmem_shared>>) offsets(%arg8 : memref<1000xi32, #tpu.memory_space<vmem>>) semaphore(%run_scoped3A : memref<!tpu.dma_semaphore, #tpu.memory_space<semaphore_mem>>) {add = true}
        %dma_wait3A_36 = arith.constant 0 : i32
        %dma_wait3A_37 = arith.constant 0 : i32
        %dma_wait3A_38 = tpu.memref_slice %arg10[%dma_wait3A_36, %dma_wait3A_37] : memref<100352x16xf32, #tpu.memory_space<vmem_shared>> -> memref<100352x16xf32, #tpu.memory_space<vmem_shared>>
        tpu.wait_indirect_dma semaphore(%run_scoped3A : memref<!tpu.dma_semaphore, #tpu.memory_space<semaphore_mem>>) src(%arg9 : memref<1000x16xf32, #tpu.memory_space<vmem>>) dst(%dma_wait3A_38 : memref<100352x16xf32, #tpu.memory_space<vmem_shared>>)
        tpu.yield
      }) : () -> ()
    }
    %scan3A_9 = arith.constant 100 : i32
    %barrier3A_10 = arith.constant 0 : index
    tpu.barrier barrier_id(%barrier3A_10)
    %mul3A_11 = arith.constant 6272 : i32
    %mul3A_12 = arith.muli %arg1, %mul3A_11 : i32
    %mul3A_13 = arith.constant 100352 : i32
    %mul3A_14 = arith.muli %arg0, %mul3A_13 : i32
    %mul3A_15 = arith.constant 6272 : i32
    %mul3A_16 = arith.muli %arg1, %mul3A_15 : i32
    %add3A = arith.addi %mul3A_14, %mul3A_16 : i32
    "tpu.region"() ({
      %run_scoped3A = tpu.sem_alloc : memref<!tpu.dma_semaphore, #tpu.memory_space<semaphore_mem>>
      %dma_start3A = arith.constant 0 : i32
      %dma_start3A_17 = tpu.memref_slice %arg6[%add3A, %dma_start3A] : memref<200704x16xf32, #tpu.memory_space<hbm>> -> memref<6272x16xf32, #tpu.memory_space<hbm>>
      %dma_start3A_18 = arith.constant 0 : i32
      %dma_start3A_19 = tpu.memref_slice %arg10[%mul3A_12, %dma_start3A_18] : memref<100352x16xf32, #tpu.memory_space<vmem_shared>> -> memref<6272x16xf32, #tpu.memory_space<vmem_shared>>
      tpu.enqueue_dma source(%dma_start3A_19 : memref<6272x16xf32, #tpu.memory_space<vmem_shared>>) target(%dma_start3A_17 : memref<6272x16xf32, #tpu.memory_space<hbm>>) target_semaphore(%run_scoped3A : memref<!tpu.dma_semaphore, #tpu.memory_space<semaphore_mem>>)
      %dma_wait3A = arith.constant 0 : i32
      %dma_wait3A_20 = tpu.memref_slice %arg6[%add3A, %dma_wait3A] : memref<200704x16xf32, #tpu.memory_space<hbm>> -> memref<6272x16xf32, #tpu.memory_space<hbm>>
      %dma_wait3A_21 = arith.constant 0 : i32
      %dma_wait3A_22 = tpu.memref_slice %arg10[%mul3A_12, %dma_wait3A_21] : memref<100352x16xf32, #tpu.memory_space<vmem_shared>> -> memref<6272x16xf32, #tpu.memory_space<vmem_shared>>
      tpu.wait_dma2 semaphore(%run_scoped3A : memref<!tpu.dma_semaphore, #tpu.memory_space<semaphore_mem>>) src(%dma_wait3A_22 : memref<6272x16xf32, #tpu.memory_space<vmem_shared>>) dst(%dma_wait3A_20 : memref<6272x16xf32, #tpu.memory_space<hbm>>)
      tpu.yield
    }) : () -> ()
    return
  }
}

module attributes {stable_mosaic.version = 14 : i64} {
  func.func @_t1_body(%arg0: i32, %arg1: memref<1x12544xf32, #tpu.memory_space<vmem>>, %arg2: memref<1x12544xf32, #tpu.memory_space<vmem>>, %arg3: memref<1x12544xf32, #tpu.memory_space<vmem>>, %arg4: memref<1x12544xf32, #tpu.memory_space<vmem>>, %arg5: memref<1x12544xf32, #tpu.memory_space<vmem>>) attributes {dimension_semantics = [#tpu.dimension_semantics<arbitrary>], iteration_bounds = array<i64: 8>, scalar_prefetch = 0 : i64, scratch_operands = 0 : i64, tpu.core_type = #tpu.core_type<tc>, window_params = [{transform_indices = @transform_0, window_bounds = array<i64: 1, 12544>}, {transform_indices = @transform_1, window_bounds = array<i64: 1, 12544>}, {transform_indices = @transform_2, window_bounds = array<i64: 1, 12544>}, {transform_indices = @transform_3, window_bounds = array<i64: 1, 12544>}, {transform_indices = @transform_4, window_bounds = array<i64: 1, 12544>}]} {
    %get3A = arith.constant 0 : index
    %get3A_0 = arith.constant 0 : index
    %get3A_1 = vector.load %arg1[%get3A, %get3A_0] : memref<1x12544xf32, #tpu.memory_space<vmem>>, vector<1x12544xf32>
    %get3A_2 = arith.constant 0 : index
    %get3A_3 = arith.constant 0 : index
    %get3A_4 = vector.load %arg2[%get3A_2, %get3A_3] : memref<1x12544xf32, #tpu.memory_space<vmem>>, vector<1x12544xf32>
    %add3A = arith.addf %get3A_1, %get3A_4 : vector<1x12544xf32>
    %add3A_5 = arith.constant 1.000000e+00 : f32
    %add3A_6 = vector.broadcast %add3A_5 : f32 to vector<1x12544xf32>
    %add3A_7 = arith.addf %add3A, %add3A_6 : vector<1x12544xf32>
    %rsqrt3A = math.rsqrt %add3A_7 : vector<1x12544xf32>
    %swap3A = arith.constant 0 : index
    %swap3A_8 = arith.constant 0 : index
    %swap3A_9 = vector.load %arg4[%swap3A, %swap3A_8] : memref<1x12544xf32, #tpu.memory_space<vmem>>, vector<1x12544xf32>
    tpu.vector_store %arg4[%swap3A, %swap3A_8], %rsqrt3A {strides = array<i32>} : memref<1x12544xf32, #tpu.memory_space<vmem>>, vector<1x12544xf32>,
    %get3A_10 = arith.constant 0 : index
    %get3A_11 = arith.constant 0 : index
    %get3A_12 = vector.load %arg3[%get3A_10, %get3A_11] : memref<1x12544xf32, #tpu.memory_space<vmem>>, vector<1x12544xf32>
    %mul3A = arith.mulf %rsqrt3A, %get3A_12 : vector<1x12544xf32>
    %swap3A_13 = arith.constant 0 : index
    %swap3A_14 = arith.constant 0 : index
    %swap3A_15 = vector.load %arg5[%swap3A_13, %swap3A_14] : memref<1x12544xf32, #tpu.memory_space<vmem>>, vector<1x12544xf32>
    tpu.vector_store %arg5[%swap3A_13, %swap3A_14], %mul3A {strides = array<i32>} : memref<1x12544xf32, #tpu.memory_space<vmem>>, vector<1x12544xf32>,
    return
  }
  func.func @transform_0(%arg0: i32) -> (i32, i32) {
    %c0_i32 = arith.constant 0 : i32
    %c0_i32_0 = arith.constant 0 : i32
    return %c0_i32, %arg0 : i32, i32
  }
  func.func @transform_1(%arg0: i32) -> (i32, i32) {
    %c0_i32 = arith.constant 0 : i32
    %c0_i32_0 = arith.constant 0 : i32
    return %c0_i32, %arg0 : i32, i32
  }
  func.func @transform_2(%arg0: i32) -> (i32, i32) {
    %c0_i32 = arith.constant 0 : i32
    %c0_i32_0 = arith.constant 0 : i32
    return %c0_i32, %arg0 : i32, i32
  }
  func.func @transform_3(%arg0: i32) -> (i32, i32) {
    %c0_i32 = arith.constant 0 : i32
    %c0_i32_0 = arith.constant 0 : i32
    return %c0_i32, %arg0 : i32, i32
  }
  func.func @transform_4(%arg0: i32) -> (i32, i32) {
    %c0_i32 = arith.constant 0 : i32
    %c0_i32_0 = arith.constant 0 : i32
    return %c0_i32, %arg0 : i32, i32
  }
}

module attributes {stable_mosaic.version = 14 : i64} {
  func.func @_t2_body(%arg0: i32, %arg1: i32, %arg2: memref<1x12544xf32, #tpu.memory_space<vmem>>, %arg3: memref<1x12544xf32, #tpu.memory_space<vmem>>, %arg4: memref<1x12544xf32, #tpu.memory_space<vmem>>, %arg5: memref<1x12544xf32, #tpu.memory_space<vmem>>, %arg6: memref<32x1xf32, #tpu.memory_space<vmem>>, %arg7: memref<32x1xf32, #tpu.memory_space<vmem>>, %arg8: memref<32x1xf32, #tpu.memory_space<vmem>>, %arg9: memref<32x1xf32, #tpu.memory_space<vmem>>, %arg10: memref<32x32xf32, #tpu.memory_space<vmem>>, %arg11: memref<2x16x12544xf32, #tpu.memory_space<vmem>>, %arg12: memref<1x1xf32, #tpu.memory_space<vmem>>, %arg13: memref<1x1xf32, #tpu.memory_space<vmem>>) attributes {dimension_semantics = [#tpu.dimension_semantics<arbitrary>, #tpu.dimension_semantics<arbitrary>], iteration_bounds = array<i64: 2, 8>, scalar_prefetch = 0 : i64, scratch_operands = 2 : i64, tpu.core_type = #tpu.core_type<tc>, window_params = [{transform_indices = @transform_0, window_bounds = array<i64: 1, 12544>}, {transform_indices = @transform_1, window_bounds = array<i64: 1, 12544>}, {transform_indices = @transform_2, window_bounds = array<i64: 1, 12544>}, {transform_indices = @transform_3, window_bounds = array<i64: 1, 12544>}, {pipeline_mode = #tpu.pipeline_mode<synchronous>, transform_indices = @transform_4, window_bounds = array<i64: 32, 1>}, {pipeline_mode = #tpu.pipeline_mode<synchronous>, transform_indices = @transform_5, window_bounds = array<i64: 32, 1>}, {pipeline_mode = #tpu.pipeline_mode<synchronous>, transform_indices = @transform_6, window_bounds = array<i64: 32, 1>}, {pipeline_mode = #tpu.pipeline_mode<synchronous>, transform_indices = @transform_7, window_bounds = array<i64: 32, 1>}, {pipeline_mode = #tpu.pipeline_mode<synchronous>, transform_indices = @transform_8, window_bounds = array<i64: 32, 32>}, {transform_indices = @transform_9, window_bounds = array<i64: 2, 16, 12544>}]} {
    %get3A = arith.constant 0 : index
    %get3A_0 = arith.constant 0 : index
    %get3A_1 = vector.load %arg5[%get3A, %get3A_0] : memref<1x12544xf32, #tpu.memory_space<vmem>>, vector<1x12544xf32>
    %get3A_2 = arith.constant 0 : index
    %get3A_3 = arith.constant 0 : index
    %get3A_4 = vector.load %arg2[%get3A_2, %get3A_3] : memref<1x12544xf32, #tpu.memory_space<vmem>>, vector<1x12544xf32>
    %get3A_5 = arith.constant 0 : index
    %get3A_6 = arith.constant 0 : index
    %get3A_7 = vector.load %arg3[%get3A_5, %get3A_6] : memref<1x12544xf32, #tpu.memory_space<vmem>>, vector<1x12544xf32>
    %add3A = arith.addf %get3A_4, %get3A_7 : vector<1x12544xf32>
    %get3A_8 = arith.constant 0 : index
    %get3A_9 = arith.constant 0 : index
    %get3A_10 = vector.load %arg4[%get3A_8, %get3A_9] : memref<1x12544xf32, #tpu.memory_space<vmem>>, vector<1x12544xf32>
    %add3A_11 = arith.addf %add3A, %get3A_10 : vector<1x12544xf32>
    %mul3A = arith.mulf %get3A_1, %add3A_11 : vector<1x12544xf32>
    %eq3A = arith.constant 0 : i32
    %eq3A_12 = arith.cmpi eq, %arg0, %eq3A : i32
    %eq3A_13 = arith.constant 0 : i32
    %eq3A_14 = arith.cmpi eq, %arg1, %eq3A_13 : i32
    %and3A = arith.andi %eq3A_12, %eq3A_14 : i1
    %convert_element_type3A = arith.extui %and3A : i1 to i32
    %cond3A = arith.constant 0 : i32
    %cond3A_15 = arith.cmpi ne, %convert_element_type3A, %cond3A : i32
    scf.if %cond3A_15 {
      %broadcast_in_dim3A = arith.constant 0.000000e+00 : f32
      %broadcast_in_dim3A_26 = vector.broadcast %broadcast_in_dim3A : f32 to vector<1x1xf32>
      %swap3A = arith.constant 0 : index
      %swap3A_27 = arith.constant 0 : index
      %swap3A_28 = vector.load %arg12[%swap3A, %swap3A_27] : memref<1x1xf32, #tpu.memory_space<vmem>>, vector<1x1xf32>
      tpu.vector_store %arg12[%swap3A, %swap3A_27], %broadcast_in_dim3A_26 {strides = array<i32>} : memref<1x1xf32, #tpu.memory_space<vmem>>, vector<1x1xf32>,
      %broadcast_in_dim3A_29 = arith.constant 0.000000e+00 : f32
      %broadcast_in_dim3A_30 = vector.broadcast %broadcast_in_dim3A_29 : f32 to vector<1x1xf32>
      %swap3A_31 = arith.constant 0 : index
      %swap3A_32 = arith.constant 0 : index
      %swap3A_33 = vector.load %arg13[%swap3A_31, %swap3A_32] : memref<1x1xf32, #tpu.memory_space<vmem>>, vector<1x1xf32>
      tpu.vector_store %arg13[%swap3A_31, %swap3A_32], %broadcast_in_dim3A_30 {strides = array<i32>} : memref<1x1xf32, #tpu.memory_space<vmem>>, vector<1x1xf32>,
    } else {
    }
    %eq3A_16 = arith.constant 0 : i32
    %eq3A_17 = arith.cmpi eq, %arg0, %eq3A_16 : i32
    %convert_element_type3A_18 = arith.extui %eq3A_17 : i1 to i32
    %cond3A_19 = arith.constant 0 : i32
    %cond3A_20 = arith.cmpi ne, %convert_element_type3A_18, %cond3A_19 : i32
    scf.if %cond3A_20 {
      %get3A_26 = arith.constant 0 : index
      %get3A_27 = arith.constant 0 : index
      %get3A_28 = vector.load %arg12[%get3A_26, %get3A_27] : memref<1x1xf32, #tpu.memory_space<vmem>>, vector<1x1xf32>
      %reduce_sum3A = vector.shape_cast %mul3A : vector<1x12544xf32> to vector<1x1x12544xf32>
      %reduce_sum3A_29 = arith.constant dense<0.000000e+00> : vector<1xf32>
      %reduce_sum3A_30 = vector.multi_reduction <add>, %reduce_sum3A, %reduce_sum3A_29 [1, 2] : vector<1x1x12544xf32> to vector<1xf32>
      %reduce_sum3A_31 = vector.shape_cast %reduce_sum3A_30 : vector<1xf32> to vector<1x1x1xf32>
      %reduce_sum3A_32 = vector.extract %reduce_sum3A_31[0, 0, 0] : f32 from vector<1x1x1xf32>
      %reshape3A = vector.broadcast %reduce_sum3A_32 : f32 to vector<1x1xf32>
      %add3A_33 = arith.addf %get3A_28, %reshape3A : vector<1x1xf32>
      %swap3A = arith.constant 0 : index
      %swap3A_34 = arith.constant 0 : index
      %swap3A_35 = vector.load %arg12[%swap3A, %swap3A_34] : memref<1x1xf32, #tpu.memory_space<vmem>>, vector<1x1xf32>
      tpu.vector_store %arg12[%swap3A, %swap3A_34], %add3A_33 {strides = array<i32>} : memref<1x1xf32, #tpu.memory_space<vmem>>, vector<1x1xf32>,
      %get3A_36 = arith.constant 0 : index
      %get3A_37 = arith.constant 0 : index
      %get3A_38 = vector.load %arg13[%get3A_36, %get3A_37] : memref<1x1xf32, #tpu.memory_space<vmem>>, vector<1x1xf32>
      %mul3A_39 = arith.mulf %mul3A, %mul3A : vector<1x12544xf32>
      %reduce_sum3A_40 = vector.shape_cast %mul3A_39 : vector<1x12544xf32> to vector<1x1x12544xf32>
      %reduce_sum3A_41 = arith.constant dense<0.000000e+00> : vector<1xf32>
      %reduce_sum3A_42 = vector.multi_reduction <add>, %reduce_sum3A_40, %reduce_sum3A_41 [1, 2] : vector<1x1x12544xf32> to vector<1xf32>
      %reduce_sum3A_43 = vector.shape_cast %reduce_sum3A_42 : vector<1xf32> to vector<1x1x1xf32>
      %reduce_sum3A_44 = vector.extract %reduce_sum3A_43[0, 0, 0] : f32 from vector<1x1x1xf32>
      %reshape3A_45 = vector.broadcast %reduce_sum3A_44 : f32 to vector<1x1xf32>
      %add3A_46 = arith.addf %get3A_38, %reshape3A_45 : vector<1x1xf32>
      %swap3A_47 = arith.constant 0 : index
      %swap3A_48 = arith.constant 0 : index
      %swap3A_49 = vector.load %arg13[%swap3A_47, %swap3A_48] : memref<1x1xf32, #tpu.memory_space<vmem>>, vector<1x1xf32>
      tpu.vector_store %arg13[%swap3A_47, %swap3A_48], %add3A_46 {strides = array<i32>} : memref<1x1xf32, #tpu.memory_space<vmem>>, vector<1x1xf32>,
    } else {
    }
    %eq3A_21 = arith.constant 1 : i32
    %eq3A_22 = arith.cmpi eq, %arg0, %eq3A_21 : i32
    %convert_element_type3A_23 = arith.extui %eq3A_22 : i1 to i32
    %cond3A_24 = arith.constant 0 : i32
    %cond3A_25 = arith.cmpi ne, %convert_element_type3A_23, %cond3A_24 : i32
    scf.if %cond3A_25 {
      %get3A_26 = arith.constant 0 : index
      %get3A_27 = arith.constant 0 : index
      %get3A_28 = vector.load %arg12[%get3A_26, %get3A_27] : memref<1x1xf32, #tpu.memory_space<vmem>>, vector<1x1xf32>
      %get3A_29 = vector.extract %get3A_28[0, 0] : f32 from vector<1x1xf32>
      %div3A = arith.constant 1.000000e+05 : f32
      %div3A_30 = arith.divf %get3A_29, %div3A : f32
      %get3A_31 = arith.constant 0 : index
      %get3A_32 = arith.constant 0 : index
      %get3A_33 = vector.load %arg13[%get3A_31, %get3A_32] : memref<1x1xf32, #tpu.memory_space<vmem>>, vector<1x1xf32>
      %get3A_34 = vector.extract %get3A_33[0, 0] : f32 from vector<1x1xf32>
      %div3A_35 = arith.constant 1.000000e+05 : f32
      %div3A_36 = arith.divf %get3A_34, %div3A_35 : f32
      %mul3A_37 = arith.mulf %div3A_30, %div3A_30 : f32
      %sub3A = arith.subf %div3A_36, %mul3A_37 : f32
      %get3A_38 = arith.constant 0 : index
      %get3A_39 = arith.constant 0 : index
      %get3A_40 = vector.load %arg6[%get3A_38, %get3A_39] : memref<32x1xf32, #tpu.memory_space<vmem>>, vector<32x1xf32>
      %mul3A_41 = vector.broadcast %div3A_30 : f32 to vector<32x1xf32>
      %mul3A_42 = arith.mulf %mul3A_41, %get3A_40 : vector<32x1xf32>
      %get3A_43 = arith.constant 0 : index
      %get3A_44 = arith.constant 0 : index
      %get3A_45 = vector.load %arg7[%get3A_43, %get3A_44] : memref<32x1xf32, #tpu.memory_space<vmem>>, vector<32x1xf32>
      %add3A_46 = arith.addf %mul3A_42, %get3A_45 : vector<32x1xf32>
      %mul3A_47 = arith.mulf %get3A_40, %get3A_40 : vector<32x1xf32>
      %mul3A_48 = vector.broadcast %sub3A : f32 to vector<32x1xf32>
      %mul3A_49 = arith.mulf %mul3A_48, %mul3A_47 : vector<32x1xf32>
      %add3A_50 = arith.constant 9.99999974E-6 : f32
      %add3A_51 = vector.broadcast %add3A_50 : f32 to vector<32x1xf32>
      %add3A_52 = arith.addf %mul3A_49, %add3A_51 : vector<32x1xf32>
      %rsqrt3A = math.rsqrt %add3A_52 : vector<32x1xf32>
      %mul3A_53 = vector.broadcast %mul3A : vector<1x12544xf32> to vector<32x12544xf32>
      %mul3A_54 = vector.broadcast %get3A_40 : vector<32x1xf32> to vector<32x12544xf32>
      %mul3A_55 = arith.mulf %mul3A_53, %mul3A_54 : vector<32x12544xf32>
      %get3A_56 = arith.constant 0 : index
      %get3A_57 = arith.constant 0 : index
      %get3A_58 = vector.load %arg7[%get3A_56, %get3A_57] : memref<32x1xf32, #tpu.memory_space<vmem>>, vector<32x1xf32>
      %add3A_59 = vector.broadcast %get3A_58 : vector<32x1xf32> to vector<32x12544xf32>
      %add3A_60 = arith.addf %mul3A_55, %add3A_59 : vector<32x12544xf32>
      %get3A_61 = arith.constant 0 : index
      %get3A_62 = arith.constant 0 : index
      %get3A_63 = vector.load %arg8[%get3A_61, %get3A_62] : memref<32x1xf32, #tpu.memory_space<vmem>>, vector<32x1xf32>
      %sub3A_64 = vector.broadcast %add3A_46 : vector<32x1xf32> to vector<32x12544xf32>
      %sub3A_65 = arith.subf %add3A_60, %sub3A_64 : vector<32x12544xf32>
      %mul3A_66 = vector.broadcast %get3A_63 : vector<32x1xf32> to vector<32x12544xf32>
      %mul3A_67 = arith.mulf %mul3A_66, %sub3A_65 : vector<32x12544xf32>
      %mul3A_68 = vector.broadcast %rsqrt3A : vector<32x1xf32> to vector<32x12544xf32>
      %mul3A_69 = arith.mulf %mul3A_67, %mul3A_68 : vector<32x12544xf32>
      %get3A_70 = arith.constant 0 : index
      %get3A_71 = arith.constant 0 : index
      %get3A_72 = vector.load %arg9[%get3A_70, %get3A_71] : memref<32x1xf32, #tpu.memory_space<vmem>>, vector<32x1xf32>
      %add3A_73 = vector.broadcast %get3A_72 : vector<32x1xf32> to vector<32x12544xf32>
      %add3A_74 = arith.addf %mul3A_69, %add3A_73 : vector<32x12544xf32>
      %max3A = arith.constant 0.000000e+00 : f32
      %max3A_75 = vector.broadcast %max3A : f32 to vector<32x12544xf32>
      %max3A_76 = arith.maximumf %add3A_74, %max3A_75 : vector<32x12544xf32>
      %get3A_77 = arith.constant 0 : index
      %get3A_78 = arith.constant 0 : index
      %get3A_79 = vector.load %arg5[%get3A_77, %get3A_78] : memref<1x12544xf32, #tpu.memory_space<vmem>>, vector<1x12544xf32>
      %get3A_80 = arith.constant 0 : index
      %get3A_81 = arith.constant 0 : index
      %get3A_82 = vector.load %arg10[%get3A_80, %get3A_81] : memref<32x32xf32, #tpu.memory_space<vmem>>, vector<32x32xf32>
      %dot_general3A = arith.constant dense<0.000000e+00> : vector<32x12544xf32>
      %dot_general3A_83 = tpu.matmul %get3A_82, %max3A_76, %dot_general3A {dimension_numbers = #tpu.dot_dimension_numbers<[0], [0], [1], [1], [0, 1, 1, 1], [], []>, transpose_lhs_hint = false} : vector<32x32xf32>, vector<32x12544xf32>, vector<32x12544xf32> -> vector<32x12544xf32>
      %mul3A_84 = vector.broadcast %get3A_79 : vector<1x12544xf32> to vector<32x12544xf32>
      %mul3A_85 = arith.mulf %mul3A_84, %dot_general3A_83 : vector<32x12544xf32>
      %slice3A = vector.extract_strided_slice %mul3A_85 {offsets = [0, 0], sizes = [16, 12544], strides = [1, 1]} : vector<32x12544xf32> to vector<16x12544xf32>
      %swap3A = arith.constant 0 : index
      %swap3A_86 = arith.constant 0 : index
      %swap3A_87 = arith.constant 0 : index
      %swap3A_88 = vector.load %arg11[%swap3A, %swap3A_86, %swap3A_87] : memref<2x16x12544xf32, #tpu.memory_space<vmem>>, vector<1x16x12544xf32>
      %swap3A_89 = vector.shape_cast %swap3A_88 : vector<1x16x12544xf32> to vector<16x12544xf32>
      %swap3A_90 = vector.shape_cast %slice3A : vector<16x12544xf32> to vector<1x16x12544xf32>
      tpu.vector_store %arg11[%swap3A, %swap3A_86, %swap3A_87], %swap3A_90 {strides = array<i32>} : memref<2x16x12544xf32, #tpu.memory_space<vmem>>, vector<1x16x12544xf32>,
      %slice3A_91 = vector.extract_strided_slice %mul3A_85 {offsets = [16, 0], sizes = [16, 12544], strides = [1, 1]} : vector<32x12544xf32> to vector<16x12544xf32>
      %swap3A_92 = arith.constant 1 : index
      %swap3A_93 = arith.constant 0 : index
      %swap3A_94 = arith.constant 0 : index
      %swap3A_95 = vector.load %arg11[%swap3A_92, %swap3A_93, %swap3A_94] : memref<2x16x12544xf32, #tpu.memory_space<vmem>>, vector<1x16x12544xf32>
      %swap3A_96 = vector.shape_cast %swap3A_95 : vector<1x16x12544xf32> to vector<16x12544xf32>
      %swap3A_97 = vector.shape_cast %slice3A_91 : vector<16x12544xf32> to vector<1x16x12544xf32>
      tpu.vector_store %arg11[%swap3A_92, %swap3A_93, %swap3A_94], %swap3A_97 {strides = array<i32>} : memref<2x16x12544xf32, #tpu.memory_space<vmem>>, vector<1x16x12544xf32>,
    } else {
    }
    return
  }
  func.func @transform_0(%arg0: i32, %arg1: i32) -> (i32, i32) {
    %c0_i32 = arith.constant 0 : i32
    %c0_i32_0 = arith.constant 0 : i32
    return %c0_i32, %arg1 : i32, i32
  }
  func.func @transform_1(%arg0: i32, %arg1: i32) -> (i32, i32) {
    %c0_i32 = arith.constant 0 : i32
    %c0_i32_0 = arith.constant 0 : i32
    return %c0_i32, %arg1 : i32, i32
  }
  func.func @transform_2(%arg0: i32, %arg1: i32) -> (i32, i32) {
    %c0_i32 = arith.constant 0 : i32
    %c0_i32_0 = arith.constant 0 : i32
    return %c0_i32, %arg1 : i32, i32
  }
  func.func @transform_3(%arg0: i32, %arg1: i32) -> (i32, i32) {
    %c0_i32 = arith.constant 0 : i32
    %c0_i32_0 = arith.constant 0 : i32
    return %c0_i32, %arg1 : i32, i32
  }
  func.func @transform_4(%arg0: i32, %arg1: i32) -> (i32, i32) {
    %c0_i32 = arith.constant 0 : i32
    %c0_i32_0 = arith.constant 0 : i32
    %c0_i32_1 = arith.constant 0 : i32
    return %c0_i32, %c0_i32_0 : i32, i32
  }
  func.func @transform_5(%arg0: i32, %arg1: i32) -> (i32, i32) {
    %c0_i32 = arith.constant 0 : i32
    %c0_i32_0 = arith.constant 0 : i32
    %c0_i32_1 = arith.constant 0 : i32
    return %c0_i32, %c0_i32_0 : i32, i32
  }
  func.func @transform_6(%arg0: i32, %arg1: i32) -> (i32, i32) {
    %c0_i32 = arith.constant 0 : i32
    %c0_i32_0 = arith.constant 0 : i32
    %c0_i32_1 = arith.constant 0 : i32
    return %c0_i32, %c0_i32_0 : i32, i32
  }
  func.func @transform_7(%arg0: i32, %arg1: i32) -> (i32, i32) {
    %c0_i32 = arith.constant 0 : i32
    %c0_i32_0 = arith.constant 0 : i32
    %c0_i32_1 = arith.constant 0 : i32
    return %c0_i32, %c0_i32_0 : i32, i32
  }
  func.func @transform_8(%arg0: i32, %arg1: i32) -> (i32, i32) {
    %c0_i32 = arith.constant 0 : i32
    %c0_i32_0 = arith.constant 0 : i32
    %c0_i32_1 = arith.constant 0 : i32
    return %c0_i32, %c0_i32_0 : i32, i32
  }
  func.func @transform_9(%arg0: i32, %arg1: i32) -> (i32, i32, i32) {
    %c0_i32 = arith.constant 0 : i32
    %c0_i32_0 = arith.constant 0 : i32
    %c0_i32_1 = arith.constant 0 : i32
    return %c0_i32, %c0_i32_0, %arg1 : i32, i32, i32
  }
}

module attributes {stable_mosaic.version = 14 : i64} {
  func.func @_t3_body(%arg0: i32, %arg1: i32, %arg2: memref<2x16x12544xf32, #tpu.memory_space<vmem>>, %arg3: memref<2x16x12544xf32, #tpu.memory_space<vmem>>, %arg4: memref<1x12544xf32, #tpu.memory_space<vmem>>, %arg5: memref<1x12544xi32, #tpu.memory_space<vmem>>, %arg6: memref<32x1xf32, #tpu.memory_space<vmem>>, %arg7: memref<32x1xf32, #tpu.memory_space<vmem>>, %arg8: memref<32x1xf32, #tpu.memory_space<vmem>>, %arg9: memref<32x32xf32, #tpu.memory_space<vmem>>, %arg10: memref<1x32xf32, #tpu.memory_space<vmem>>, %arg11: memref<32x128xf32, #tpu.memory_space<vmem>>, %arg12: memref<1x128xf32, #tpu.memory_space<vmem>>, %arg13: memref<64x128xf32, #tpu.memory_space<vmem>>, %arg14: memref<32x1xf32, #tpu.memory_space<vmem>>, %arg15: memref<32x1xf32, #tpu.memory_space<vmem>>, %arg16: memref<32x64xf32, #tpu.memory_space<vmem>>, %arg17: memref<1x64xf32, #tpu.memory_space<vmem>>) attributes {dimension_semantics = [#tpu.dimension_semantics<arbitrary>, #tpu.dimension_semantics<arbitrary>], iteration_bounds = array<i64: 2, 8>, scalar_prefetch = 0 : i64, scratch_operands = 4 : i64, tpu.core_type = #tpu.core_type<tc>, window_params = [{transform_indices = @transform_0, window_bounds = array<i64: 2, 16, 12544>}, {transform_indices = @transform_1, window_bounds = array<i64: 2, 16, 12544>}, {transform_indices = @transform_2, window_bounds = array<i64: 1, 12544>}, {transform_indices = @transform_3, window_bounds = array<i64: 1, 12544>}, {pipeline_mode = #tpu.pipeline_mode<synchronous>, transform_indices = @transform_4, window_bounds = array<i64: 32, 1>}, {pipeline_mode = #tpu.pipeline_mode<synchronous>, transform_indices = @transform_5, window_bounds = array<i64: 32, 1>}, {pipeline_mode = #tpu.pipeline_mode<synchronous>, transform_indices = @transform_6, window_bounds = array<i64: 32, 1>}, {pipeline_mode = #tpu.pipeline_mode<synchronous>, transform_indices = @transform_7, window_bounds = array<i64: 32, 32>}, {pipeline_mode = #tpu.pipeline_mode<synchronous>, transform_indices = @transform_8, window_bounds = array<i64: 1, 32>}, {pipeline_mode = #tpu.pipeline_mode<synchronous>, transform_indices = @transform_9, window_bounds = array<i64: 32, 128>}, {pipeline_mode = #tpu.pipeline_mode<synchronous>, transform_indices = @transform_10, window_bounds = array<i64: 1, 128>}, {pipeline_mode = #tpu.pipeline_mode<synchronous>, transform_indices = @transform_11, window_bounds = array<i64: 64, 128>}]} {
    %get3A = arith.constant 0 : index
    %get3A_0 = arith.constant 0 : index
    %get3A_1 = arith.constant 0 : index
    %get3A_2 = vector.load %arg2[%get3A, %get3A_0, %get3A_1] : memref<2x16x12544xf32, #tpu.memory_space<vmem>>, vector<1x16x12544xf32>
    %get3A_3 = vector.shape_cast %get3A_2 : vector<1x16x12544xf32> to vector<16x12544xf32>
    %get3A_4 = arith.constant 0 : index
    %get3A_5 = arith.constant 0 : index
    %get3A_6 = arith.constant 0 : index
    %get3A_7 = vector.load %arg3[%get3A_4, %get3A_5, %get3A_6] : memref<2x16x12544xf32, #tpu.memory_space<vmem>>, vector<1x16x12544xf32>
    %get3A_8 = vector.shape_cast %get3A_7 : vector<1x16x12544xf32> to vector<16x12544xf32>
    %add3A = arith.addf %get3A_3, %get3A_8 : vector<16x12544xf32>
    %get3A_9 = arith.constant 1 : index
    %get3A_10 = arith.constant 0 : index
    %get3A_11 = arith.constant 0 : index
    %get3A_12 = vector.load %arg2[%get3A_9, %get3A_10, %get3A_11] : memref<2x16x12544xf32, #tpu.memory_space<vmem>>, vector<1x16x12544xf32>
    %get3A_13 = vector.shape_cast %get3A_12 : vector<1x16x12544xf32> to vector<16x12544xf32>
    %get3A_14 = arith.constant 1 : index
    %get3A_15 = arith.constant 0 : index
    %get3A_16 = arith.constant 0 : index
    %get3A_17 = vector.load %arg3[%get3A_14, %get3A_15, %get3A_16] : memref<2x16x12544xf32, #tpu.memory_space<vmem>>, vector<1x16x12544xf32>
    %get3A_18 = vector.shape_cast %get3A_17 : vector<1x16x12544xf32> to vector<16x12544xf32>
    %add3A_19 = arith.addf %get3A_13, %get3A_18 : vector<16x12544xf32>
    %concatenate3A = tpu.concatenate %add3A, %add3A_19 in 0 : vector<16x12544xf32>, vector<16x12544xf32> -> vector<32x12544xf32>
    %get3A_20 = arith.constant 0 : index
    %get3A_21 = arith.constant 0 : index
    %get3A_22 = vector.load %arg4[%get3A_20, %get3A_21] : memref<1x12544xf32, #tpu.memory_space<vmem>>, vector<1x12544xf32>
    %mul3A = vector.broadcast %get3A_22 : vector<1x12544xf32> to vector<32x12544xf32>
    %mul3A_23 = arith.mulf %mul3A, %concatenate3A : vector<32x12544xf32>
    %get3A_24 = arith.constant 0 : index
    %get3A_25 = arith.constant 0 : index
    %get3A_26 = vector.load %arg6[%get3A_24, %get3A_25] : memref<32x1xf32, #tpu.memory_space<vmem>>, vector<32x1xf32>
    %add3A_27 = vector.broadcast %get3A_26 : vector<32x1xf32> to vector<32x12544xf32>
    %add3A_28 = arith.addf %mul3A_23, %add3A_27 : vector<32x12544xf32>
    %eq3A = arith.constant 0 : i32
    %eq3A_29 = arith.cmpi eq, %arg0, %eq3A : i32
    %eq3A_30 = arith.constant 0 : i32
    %eq3A_31 = arith.cmpi eq, %arg1, %eq3A_30 : i32
    %and3A = arith.andi %eq3A_29, %eq3A_31 : i1
    %convert_element_type3A = arith.extui %and3A : i1 to i32
    %cond3A = arith.constant 0 : i32
    %cond3A_32 = arith.cmpi ne, %convert_element_type3A, %cond3A : i32
    scf.if %cond3A_32 {
      %broadcast_in_dim3A = arith.constant 0.000000e+00 : f32
      %broadcast_in_dim3A_51 = vector.broadcast %broadcast_in_dim3A : f32 to vector<32x1xf32>
      %swap3A = arith.constant 0 : index
      %swap3A_52 = arith.constant 0 : index
      %swap3A_53 = vector.load %arg14[%swap3A, %swap3A_52] : memref<32x1xf32, #tpu.memory_space<vmem>>, vector<32x1xf32>
      tpu.vector_store %arg14[%swap3A, %swap3A_52], %broadcast_in_dim3A_51 {strides = array<i32>} : memref<32x1xf32, #tpu.memory_space<vmem>>, vector<32x1xf32>,
      %broadcast_in_dim3A_54 = arith.constant 0.000000e+00 : f32
      %broadcast_in_dim3A_55 = vector.broadcast %broadcast_in_dim3A_54 : f32 to vector<32x1xf32>
      %swap3A_56 = arith.constant 0 : index
      %swap3A_57 = arith.constant 0 : index
      %swap3A_58 = vector.load %arg15[%swap3A_56, %swap3A_57] : memref<32x1xf32, #tpu.memory_space<vmem>>, vector<32x1xf32>
      tpu.vector_store %arg15[%swap3A_56, %swap3A_57], %broadcast_in_dim3A_55 {strides = array<i32>} : memref<32x1xf32, #tpu.memory_space<vmem>>, vector<32x1xf32>,
      %broadcast_in_dim3A_59 = arith.constant 0.000000e+00 : f32
      %broadcast_in_dim3A_60 = vector.broadcast %broadcast_in_dim3A_59 : f32 to vector<32x64xf32>
      %swap3A_61 = arith.constant 0 : index
      %swap3A_62 = arith.constant 0 : index
      %swap3A_63 = vector.load %arg16[%swap3A_61, %swap3A_62] : memref<32x64xf32, #tpu.memory_space<vmem>>, vector<32x64xf32>
      tpu.vector_store %arg16[%swap3A_61, %swap3A_62], %broadcast_in_dim3A_60 {strides = array<i32>} : memref<32x64xf32, #tpu.memory_space<vmem>>, vector<32x64xf32>,
      %broadcast_in_dim3A_64 = arith.constant 0.000000e+00 : f32
      %broadcast_in_dim3A_65 = vector.broadcast %broadcast_in_dim3A_64 : f32 to vector<1x64xf32>
      %swap3A_66 = arith.constant 0 : index
      %swap3A_67 = arith.constant 0 : index
      %swap3A_68 = vector.load %arg17[%swap3A_66, %swap3A_67] : memref<1x64xf32, #tpu.memory_space<vmem>>, vector<1x64xf32>
      tpu.vector_store %arg17[%swap3A_66, %swap3A_67], %broadcast_in_dim3A_65 {strides = array<i32>} : memref<1x64xf32, #tpu.memory_space<vmem>>, vector<1x64xf32>,
    } else {
    }
    %eq3A_33 = arith.constant 0 : i32
    %eq3A_34 = arith.cmpi eq, %arg0, %eq3A_33 : i32
    %convert_element_type3A_35 = arith.extui %eq3A_34 : i1 to i32
    %cond3A_36 = arith.constant 0 : i32
    %cond3A_37 = arith.cmpi ne, %convert_element_type3A_35, %cond3A_36 : i32
    scf.if %cond3A_37 {
      %iota3A = tpu.iota {dimensions = array<i32: 1>} : vector<1x12544xi32>
      %mul3A_51 = arith.constant 12544 : i32
      %mul3A_52 = arith.muli %arg1, %mul3A_51 : i32
      %add3A_53 = vector.broadcast %mul3A_52 : i32 to vector<1x12544xi32>
      %add3A_54 = arith.addi %iota3A, %add3A_53 : vector<1x12544xi32>
      %lt3A = arith.constant 100000 : i32
      %lt3A_55 = vector.broadcast %lt3A : i32 to vector<1x12544xi32>
      %lt3A_56 = arith.cmpi slt, %add3A_54, %lt3A_55 : vector<1x12544xi32>
      %jit3A = arith.constant 0.000000e+00 : f32
      %broadcast_in_dim3A = vector.shape_cast %lt3A_56 : vector<1x12544xi1> to vector<1x12544xi1>
      %broadcast_in_dim3A_57 = vector.broadcast %broadcast_in_dim3A : vector<1x12544xi1> to vector<32x12544xi1>
      %broadcast_in_dim3A_58 = vector.broadcast %jit3A : f32 to vector<32x12544xf32>
      %select_n3A = arith.select %broadcast_in_dim3A_57, %add3A_28, %broadcast_in_dim3A_58 : vector<32x12544xi1>, vector<32x12544xf32>
      %get3A_59 = arith.constant 0 : index
      %get3A_60 = arith.constant 0 : index
      %get3A_61 = vector.load %arg14[%get3A_59, %get3A_60] : memref<32x1xf32, #tpu.memory_space<vmem>>, vector<32x1xf32>
      %reduce_sum3A = arith.constant dense<0.000000e+00> : vector<32xf32>
      %reduce_sum3A_62 = vector.multi_reduction <add>, %select_n3A, %reduce_sum3A [1] : vector<32x12544xf32> to vector<32xf32>
      %broadcast_in_dim3A_63 = vector.shape_cast %reduce_sum3A_62 : vector<32xf32> to vector<32x1xf32>
      %add3A_64 = arith.addf %get3A_61, %broadcast_in_dim3A_63 : vector<32x1xf32>
      %swap3A = arith.constant 0 : index
      %swap3A_65 = arith.constant 0 : index
      %swap3A_66 = vector.load %arg14[%swap3A, %swap3A_65] : memref<32x1xf32, #tpu.memory_space<vmem>>, vector<32x1xf32>
      tpu.vector_store %arg14[%swap3A, %swap3A_65], %add3A_64 {strides = array<i32>} : memref<32x1xf32, #tpu.memory_space<vmem>>, vector<32x1xf32>,
      %get3A_67 = arith.constant 0 : index
      %get3A_68 = arith.constant 0 : index
      %get3A_69 = vector.load %arg15[%get3A_67, %get3A_68] : memref<32x1xf32, #tpu.memory_space<vmem>>, vector<32x1xf32>
      %mul3A_70 = arith.mulf %select_n3A, %select_n3A : vector<32x12544xf32>
      %reduce_sum3A_71 = arith.constant dense<0.000000e+00> : vector<32xf32>
      %reduce_sum3A_72 = vector.multi_reduction <add>, %mul3A_70, %reduce_sum3A_71 [1] : vector<32x12544xf32> to vector<32xf32>
      %broadcast_in_dim3A_73 = vector.shape_cast %reduce_sum3A_72 : vector<32xf32> to vector<32x1xf32>
      %add3A_74 = arith.addf %get3A_69, %broadcast_in_dim3A_73 : vector<32x1xf32>
      %swap3A_75 = arith.constant 0 : index
      %swap3A_76 = arith.constant 0 : index
      %swap3A_77 = vector.load %arg15[%swap3A_75, %swap3A_76] : memref<32x1xf32, #tpu.memory_space<vmem>>, vector<32x1xf32>
      tpu.vector_store %arg15[%swap3A_75, %swap3A_76], %add3A_74 {strides = array<i32>} : memref<32x1xf32, #tpu.memory_space<vmem>>, vector<32x1xf32>,
    } else {
    }
    %eq3A_38 = arith.constant 1 : i32
    %eq3A_39 = arith.cmpi eq, %arg0, %eq3A_38 : i32
    %convert_element_type3A_40 = arith.extui %eq3A_39 : i1 to i32
    %cond3A_41 = arith.constant 0 : i32
    %cond3A_42 = arith.cmpi ne, %convert_element_type3A_40, %cond3A_41 : i32
    scf.if %cond3A_42 {
      %get3A_51 = arith.constant 0 : index
      %get3A_52 = arith.constant 0 : index
      %get3A_53 = vector.load %arg14[%get3A_51, %get3A_52] : memref<32x1xf32, #tpu.memory_space<vmem>>, vector<32x1xf32>
      %div3A = arith.constant 1.000000e+05 : f32
      %div3A_54 = vector.broadcast %div3A : f32 to vector<32x1xf32>
      %div3A_55 = arith.divf %get3A_53, %div3A_54 : vector<32x1xf32>
      %get3A_56 = arith.constant 0 : index
      %get3A_57 = arith.constant 0 : index
      %get3A_58 = vector.load %arg15[%get3A_56, %get3A_57] : memref<32x1xf32, #tpu.memory_space<vmem>>, vector<32x1xf32>
      %div3A_59 = arith.constant 1.000000e+05 : f32
      %div3A_60 = vector.broadcast %div3A_59 : f32 to vector<32x1xf32>
      %div3A_61 = arith.divf %get3A_58, %div3A_60 : vector<32x1xf32>
      %mul3A_62 = arith.mulf %div3A_55, %div3A_55 : vector<32x1xf32>
      %sub3A = arith.subf %div3A_61, %mul3A_62 : vector<32x1xf32>
      %get3A_63 = arith.constant 0 : index
      %get3A_64 = arith.constant 0 : index
      %get3A_65 = vector.load %arg7[%get3A_63, %get3A_64] : memref<32x1xf32, #tpu.memory_space<vmem>>, vector<32x1xf32>
      %sub3A_66 = vector.broadcast %div3A_55 : vector<32x1xf32> to vector<32x12544xf32>
      %sub3A_67 = arith.subf %add3A_28, %sub3A_66 : vector<32x12544xf32>
      %mul3A_68 = vector.broadcast %get3A_65 : vector<32x1xf32> to vector<32x12544xf32>
      %mul3A_69 = arith.mulf %mul3A_68, %sub3A_67 : vector<32x12544xf32>
      %add3A_70 = arith.constant 9.99999974E-6 : f32
      %add3A_71 = vector.broadcast %add3A_70 : f32 to vector<32x1xf32>
      %add3A_72 = arith.addf %sub3A, %add3A_71 : vector<32x1xf32>
      %rsqrt3A = math.rsqrt %add3A_72 : vector<32x1xf32>
      %mul3A_73 = vector.broadcast %rsqrt3A : vector<32x1xf32> to vector<32x12544xf32>
      %mul3A_74 = arith.mulf %mul3A_69, %mul3A_73 : vector<32x12544xf32>
      %get3A_75 = arith.constant 0 : index
      %get3A_76 = arith.constant 0 : index
      %get3A_77 = vector.load %arg8[%get3A_75, %get3A_76] : memref<32x1xf32, #tpu.memory_space<vmem>>, vector<32x1xf32>
      %add3A_78 = vector.broadcast %get3A_77 : vector<32x1xf32> to vector<32x12544xf32>
      %add3A_79 = arith.addf %mul3A_74, %add3A_78 : vector<32x12544xf32>
      %max3A = arith.constant 0.000000e+00 : f32
      %max3A_80 = vector.broadcast %max3A : f32 to vector<32x12544xf32>
      %max3A_81 = arith.maximumf %add3A_79, %max3A_80 : vector<32x12544xf32>
      %iota3A = tpu.iota {dimensions = array<i32: 0>} : vector<64x12544xi32>
      %get3A_82 = arith.constant 0 : index
      %get3A_83 = arith.constant 0 : index
      %get3A_84 = vector.load %arg5[%get3A_82, %get3A_83] : memref<1x12544xi32, #tpu.memory_space<vmem>>, vector<1x12544xi32>
      %eq3A_85 = vector.broadcast %get3A_84 : vector<1x12544xi32> to vector<64x12544xi32>
      %eq3A_86 = arith.cmpi eq, %iota3A, %eq3A_85 : vector<64x12544xi32>
      %convert_element_type3A_87 = arith.extui %eq3A_86 : vector<64x12544xi1> to vector<64x12544xi32>
      %convert_element_type3A_88 = arith.sitofp %convert_element_type3A_87 : vector<64x12544xi32> to vector<64x12544xf32>
      %get3A_89 = arith.constant 0 : index
      %get3A_90 = arith.constant 0 : index
      %get3A_91 = vector.load %arg16[%get3A_89, %get3A_90] : memref<32x64xf32, #tpu.memory_space<vmem>>, vector<32x64xf32>
      %dot_general3A = arith.constant dense<0.000000e+00> : vector<32x64xf32>
      %dot_general3A_92 = tpu.matmul %max3A_81, %convert_element_type3A_88, %dot_general3A {dimension_numbers = #tpu.dot_dimension_numbers<[1], [1], [0], [0], [0, 0, 1, 0], [], []>, transpose_lhs_hint = false} : vector<32x12544xf32>, vector<64x12544xf32>, vector<32x64xf32> -> vector<32x64xf32>
      %add3A_93 = arith.addf %get3A_91, %dot_general3A_92 : vector<32x64xf32>
      %swap3A = arith.constant 0 : index
      %swap3A_94 = arith.constant 0 : index
      %swap3A_95 = vector.load %arg16[%swap3A, %swap3A_94] : memref<32x64xf32, #tpu.memory_space<vmem>>, vector<32x64xf32>
      tpu.vector_store %arg16[%swap3A, %swap3A_94], %add3A_93 {strides = array<i32>} : memref<32x64xf32, #tpu.memory_space<vmem>>, vector<32x64xf32>,
      %get3A_96 = arith.constant 0 : index
      %get3A_97 = arith.constant 0 : index
      %get3A_98 = vector.load %arg17[%get3A_96, %get3A_97] : memref<1x64xf32, #tpu.memory_space<vmem>>, vector<1x64xf32>
      %broadcast_in_dim3A = arith.constant 1.000000e+00 : f32
      %broadcast_in_dim3A_99 = vector.broadcast %broadcast_in_dim3A : f32 to vector<1x12544xf32>
      %dot_general3A_100 = arith.constant dense<0.000000e+00> : vector<1x64xf32>
      %dot_general3A_101 = tpu.matmul %broadcast_in_dim3A_99, %convert_element_type3A_88, %dot_general3A_100 {dimension_numbers = #tpu.dot_dimension_numbers<[1], [1], [0], [0], [0, 0, 1, 0], [], []>, transpose_lhs_hint = false} : vector<1x12544xf32>, vector<64x12544xf32>, vector<1x64xf32> -> vector<1x64xf32>
      %add3A_102 = arith.addf %get3A_98, %dot_general3A_101 : vector<1x64xf32>
      %swap3A_103 = arith.constant 0 : index
      %swap3A_104 = arith.constant 0 : index
      %swap3A_105 = vector.load %arg17[%swap3A_103, %swap3A_104] : memref<1x64xf32, #tpu.memory_space<vmem>>, vector<1x64xf32>
      tpu.vector_store %arg17[%swap3A_103, %swap3A_104], %add3A_102 {strides = array<i32>} : memref<1x64xf32, #tpu.memory_space<vmem>>, vector<1x64xf32>,
    } else {
    }
    %eq3A_43 = arith.constant 1 : i32
    %eq3A_44 = arith.cmpi eq, %arg0, %eq3A_43 : i32
    %eq3A_45 = arith.constant 7 : i32
    %eq3A_46 = arith.cmpi eq, %arg1, %eq3A_45 : i32
    %and3A_47 = arith.andi %eq3A_44, %eq3A_46 : i1
    %convert_element_type3A_48 = arith.extui %and3A_47 : i1 to i32
    %cond3A_49 = arith.constant 0 : i32
    %cond3A_50 = arith.cmpi ne, %convert_element_type3A_48, %cond3A_49 : i32
    scf.if %cond3A_50 {
      %get3A_51 = arith.constant 0 : index
      %get3A_52 = arith.constant 0 : index
      %get3A_53 = vector.load %arg16[%get3A_51, %get3A_52] : memref<32x64xf32, #tpu.memory_space<vmem>>, vector<32x64xf32>
      %get3A_54 = arith.constant 0 : index
      %get3A_55 = arith.constant 0 : index
      %get3A_56 = vector.load %arg17[%get3A_54, %get3A_55] : memref<1x64xf32, #tpu.memory_space<vmem>>, vector<1x64xf32>
      %max3A = arith.constant 1.000000e+00 : f32
      %max3A_57 = vector.broadcast %max3A : f32 to vector<1x64xf32>
      %max3A_58 = arith.maximumf %get3A_56, %max3A_57 : vector<1x64xf32>
      %div3A = vector.broadcast %max3A_58 : vector<1x64xf32> to vector<32x64xf32>
      %div3A_59 = arith.divf %get3A_53, %div3A : vector<32x64xf32>
      %get3A_60 = arith.constant 0 : index
      %get3A_61 = arith.constant 0 : index
      %get3A_62 = vector.load %arg9[%get3A_60, %get3A_61] : memref<32x32xf32, #tpu.memory_space<vmem>>, vector<32x32xf32>
      %dot_general3A = arith.constant dense<0.000000e+00> : vector<64x32xf32>
      %dot_general3A_63 = tpu.matmul %div3A_59, %get3A_62, %dot_general3A {dimension_numbers = #tpu.dot_dimension_numbers<[0], [0], [1], [1], [0, 1, 1, 1], [], []>, transpose_lhs_hint = false} : vector<32x64xf32>, vector<32x32xf32>, vector<64x32xf32> -> vector<64x32xf32>
      %get3A_64 = arith.constant 0 : index
      %get3A_65 = arith.constant 0 : index
      %get3A_66 = vector.load %arg10[%get3A_64, %get3A_65] : memref<1x32xf32, #tpu.memory_space<vmem>>, vector<1x32xf32>
      %add3A_67 = vector.broadcast %get3A_66 : vector<1x32xf32> to vector<64x32xf32>
      %add3A_68 = arith.addf %dot_general3A_63, %add3A_67 : vector<64x32xf32>
      %max3A_69 = arith.constant 0.000000e+00 : f32
      %max3A_70 = vector.broadcast %max3A_69 : f32 to vector<64x32xf32>
      %max3A_71 = arith.maximumf %add3A_68, %max3A_70 : vector<64x32xf32>
      %get3A_72 = arith.constant 0 : index
      %get3A_73 = arith.constant 0 : index
      %get3A_74 = vector.load %arg11[%get3A_72, %get3A_73] : memref<32x128xf32, #tpu.memory_space<vmem>>, vector<32x128xf32>
      %dot_general3A_75 = arith.constant dense<0.000000e+00> : vector<64x128xf32>
      %dot_general3A_76 = tpu.matmul %max3A_71, %get3A_74, %dot_general3A_75 {dimension_numbers = #tpu.dot_dimension_numbers<[1], [0], [0], [1], [0, 0, 1, 1], [], []>, transpose_lhs_hint = false} : vector<64x32xf32>, vector<32x128xf32>, vector<64x128xf32> -> vector<64x128xf32>
      %get3A_77 = arith.constant 0 : index
      %get3A_78 = arith.constant 0 : index
      %get3A_79 = vector.load %arg12[%get3A_77, %get3A_78] : memref<1x128xf32, #tpu.memory_space<vmem>>, vector<1x128xf32>
      %add3A_80 = vector.broadcast %get3A_79 : vector<1x128xf32> to vector<64x128xf32>
      %add3A_81 = arith.addf %dot_general3A_76, %add3A_80 : vector<64x128xf32>
      %swap3A = arith.constant 0 : index
      %swap3A_82 = arith.constant 0 : index
      %swap3A_83 = vector.load %arg13[%swap3A, %swap3A_82] : memref<64x128xf32, #tpu.memory_space<vmem>>, vector<64x128xf32>
      tpu.vector_store %arg13[%swap3A, %swap3A_82], %add3A_81 {strides = array<i32>} : memref<64x128xf32, #tpu.memory_space<vmem>>, vector<64x128xf32>,
    } else {
    }
    return
  }
  func.func @transform_0(%arg0: i32, %arg1: i32) -> (i32, i32, i32) {
    %c0_i32 = arith.constant 0 : i32
    %c0_i32_0 = arith.constant 0 : i32
    %c0_i32_1 = arith.constant 0 : i32
    return %c0_i32, %c0_i32_0, %arg1 : i32, i32, i32
  }
  func.func @transform_1(%arg0: i32, %arg1: i32) -> (i32, i32, i32) {
    %c0_i32 = arith.constant 0 : i32
    %c0_i32_0 = arith.constant 0 : i32
    %c0_i32_1 = arith.constant 0 : i32
    return %c0_i32, %c0_i32_0, %arg1 : i32, i32, i32
  }
  func.func @transform_2(%arg0: i32, %arg1: i32) -> (i32, i32) {
    %c0_i32 = arith.constant 0 : i32
    %c0_i32_0 = arith.constant 0 : i32
    return %c0_i32, %arg1 : i32, i32
  }
  func.func @transform_3(%arg0: i32, %arg1: i32) -> (i32, i32) {
    %c0_i32 = arith.constant 0 : i32
    %c0_i32_0 = arith.constant 0 : i32
    return %c0_i32, %arg1 : i32, i32
  }
  func.func @transform_4(%arg0: i32, %arg1: i32) -> (i32, i32) {
    %c0_i32 = arith.constant 0 : i32
    %c0_i32_0 = arith.constant 0 : i32
    %c0_i32_1 = arith.constant 0 : i32
    return %c0_i32, %c0_i32_0 : i32, i32
  }
  func.func @transform_5(%arg0: i32, %arg1: i32) -> (i32, i32) {
    %c0_i32 = arith.constant 0 : i32
    %c0_i32_0 = arith.constant 0 : i32
    %c0_i32_1 = arith.constant 0 : i32
    return %c0_i32, %c0_i32_0 : i32, i32
  }
  func.func @transform_6(%arg0: i32, %arg1: i32) -> (i32, i32) {
    %c0_i32 = arith.constant 0 : i32
    %c0_i32_0 = arith.constant 0 : i32
    %c0_i32_1 = arith.constant 0 : i32
    return %c0_i32, %c0_i32_0 : i32, i32
  }
  func.func @transform_7(%arg0: i32, %arg1: i32) -> (i32, i32) {
    %c0_i32 = arith.constant 0 : i32
    %c0_i32_0 = arith.constant 0 : i32
    %c0_i32_1 = arith.constant 0 : i32
    return %c0_i32, %c0_i32_0 : i32, i32
  }
  func.func @transform_8(%arg0: i32, %arg1: i32) -> (i32, i32) {
    %c0_i32 = arith.constant 0 : i32
    %c0_i32_0 = arith.constant 0 : i32
    %c0_i32_1 = arith.constant 0 : i32
    return %c0_i32, %c0_i32_0 : i32, i32
  }
  func.func @transform_9(%arg0: i32, %arg1: i32) -> (i32, i32) {
    %c0_i32 = arith.constant 0 : i32
    %c0_i32_0 = arith.constant 0 : i32
    %c0_i32_1 = arith.constant 0 : i32
    return %c0_i32, %c0_i32_0 : i32, i32
  }
  func.func @transform_10(%arg0: i32, %arg1: i32) -> (i32, i32) {
    %c0_i32 = arith.constant 0 : i32
    %c0_i32_0 = arith.constant 0 : i32
    %c0_i32_1 = arith.constant 0 : i32
    return %c0_i32, %c0_i32_0 : i32, i32
  }
  func.func @transform_11(%arg0: i32, %arg1: i32) -> (i32, i32) {
    %c0_i32 = arith.constant 0 : i32
    %c0_i32_0 = arith.constant 0 : i32
    %c0_i32_1 = arith.constant 0 : i32
    return %c0_i32, %c0_i32_0 : i32, i32
  }
}

</mosaic_0001>

<sc_bundles>
// kernel: kernel.11.cloned.1.call-start
scs
__scs_entry_jumppad:
0x0: {  	(pc) =	sbr.rel $0x88, $3  }
0x1: {  	(tag) =	ssettag $0x0;
	lr =	simm.s32 $0x1  }
0x2: {  	[smem:$0x3F92] =	sst lr;
	_ =	strace $0xD0000000  }
0x3: {  	_ = 	snop  }
0x4: {  	_ = 	snop  }
0x5: {  	_ = 	snop  }
0x6: {  	_ = 	snop  }
0x7: {  	_ = 	snop  }
__scs_overlays_trampoline_lowered:
0x8: {  	[smem:$0x3FA1] =	sst s0  }
0x9: {  	[smem:$0x3FA2] =	sst s1  }
0xa: {  	[smem:$0x3FA3] =	sst s2  }
0xb: {  	[smem:$0x3FA4] =	sst s3  }
0xc: {  	[smem:$0x3FA5] =	sst s4  }
0xd: {  	[smem:$0x3FA6] =	sst s5  }
0xe: {  	[smem:$0x3FA7] =	sst s6  }
0xf: {  	[smem:$0x3FA8] =	sst s7  }
0x10: {  	[smem:$0x3FA9] =	sst s8  }
0x11: {  	[smem:$0x3FAA] =	sst s9;
	s0 =	simm.s32 @!p0 $0x0  }
0x12: {  	s1 =	sld [smem:$0x3F90];
	s0 =	simm.s32 @p0 $0x1  }
0x13: {  	[smem:$0x3FAB] =	sst s0;
	s0 =	simm.s32 @!p1 $0x0  }
0x14: {  	s2 =	sld [smem:$0x3F8F];
	s0 =	simm.s32 @p1 $0x1  }
0x15: {  	[smem:$0x3FAC] =	sst s0;
	s0 =	simm.s32 @!p2 $0x0  }
0x16: {  	s3 =	sld [smem:$0x3FDB];
	s0 =	simm.s32 @p2 $0x1  }
0x17: {  	s4 =	simm.s32 $0x1BF5;
	[smem:$0x3FAE] =	sst s0  }
0x18: {  	s0 =	sld [smem:$0x3F91];
	_ =	swait.ge [sflag:s4], $0x0  }
0x19: {  	s7 =	sld [smem:$0x3F92]  }
0x1a: {  	s8 =	sadd.s32 $0xFFFFE003, lr  }
0x1b: {  	s9 =	sadd.s32 $0xFFFFFEF7, lr;
	s5 =	simm.s32 $0xFFFFFFFF;
	p2 =	slt.u32 s8, $0xFFFFF086  }
0x1c: {  	p1 =	slt.u32 s9, $0xF7A;
	s5 =	simm.s32 @!p2 $0x0  }
0x1d: {  	s5 =	simm.s32 @p1 $0x1;
	p0 =	seq.s32 s7, s2  }
0x1e: {  	s7 =	smul.u32 @!p0 $0xF7A, s2;
	p2 =	seq.s32 @!p0 s5, $0x0  }
0x1f: {  	s9 =	smul.u32 $0xF7A, s1;
	s8 =	simm.s32 @!p0 $0x1BF5;
	p2 =	por !p2, p0  }
0x20: {  	[sflag:s8] =	ssyncset.s32 @!p0 $0xFFFFF086;
	s6 =	sadd.s32 @!p0 s3, s7;
	s7 =	simm.s32 @!p0 $0x108  }
0x21: {  	s3 =	sadd.s32 s3, s9;
	s6 =	sadd.s32 @!p0 $0x88, s6;
	s7 =	simm.s32 @p2 $0x1082  }
0x22: {  	[simem:s7], [sflag:s8] =	dma.local @!p0 [hbm:s6], $0xF7A  }
0x23: {  	s9 =	sor.u32 $0xD0000000, s2;
	s6 =	simm.s32 $0x108;
	_ =	swait.ge @!p0 [sflag:s8], $0x0  }
0x24: {  	s3 =	sadd.s32 $0x88, s3;
	s6 =	simm.s32 @!p1 $0x1082;
	[sflag:s4] =	ssyncset.s32 $0xFFFFF086  }
0x25: {  	[simem:s6], [sflag:s4] =	dma.local [hbm:s3], $0xF7A  }
0x26: {  	[smem:$0x3F92] =	sst s1;
	(tag) =	ssettag s2;
	_ =	strace s9  }
0x27: {  	s1 =	sld [smem:$0x3FA2]  }
0x28: {  	s2 =	sld [smem:$0x3FA3]  }
0x29: {  	s4 =	sld [smem:$0x3FA5]  }
0x2a: {  	p0 =	seq.s32 s5, $0x0;
	s5 =	sld [smem:$0x3FA6]  }
0x2b: {  	s6 =	sld [smem:$0x3FA7]  }
0x2c: {  	s7 =	sld [smem:$0x3FA8]  }
0x2d: {  	s3 =	simm.s32 $0x108;
	s8 =	sld [smem:$0x3FA9]  }
0x2e: {  	s3 =	simm.s32 @!p0 $0x1082;
	s9 =	sld [smem:$0x3FAA]  }
0x2f: {  	lr =	sadd.s32 s0, s3;
	s0 =	sld [smem:$0x3FA1]  }
0x30: {  	s3 =	sld [smem:$0x3FA4]  }
0x31: {  	[smem:$0x3FAD] =	sst s10  }
0x32: {  	s10 =	sld [smem:$0x3FAB];
	_ =	sdelay $0x3  }
0x33: {  	p0 =	seq.s32 s10, $0x1;
	s10 =	sld [smem:$0x3FAD];
	_ =	sdelay $0x3  }
0x34: {  	[smem:$0x3FAD] =	sst s10  }
0x35: {  	s10 =	sld [smem:$0x3FAC];
	_ =	sdelay $0x3  }
0x36: {  	p1 =	seq.s32 s10, $0x1;
	s10 =	sld [smem:$0x3FAD];
	_ =	sdelay $0x3  }
0x37: {  	[smem:$0x3FAD] =	sst s10  }
0x38: {  	s10 =	sld [smem:$0x3FAE]  }
0x39: {  	_ = 	snop;
	(pc) =	sbr.ind lr, $3  }
0x3a: {  	_ = 	snop  }
0x3b: {  	_ = 	snop  }
0x3c: {  	p2 =	seq.s32 s10, $0x1;
	s10 =	sld [smem:$0x3FAD]  }
0x3d: {  	_ =	shalt  }
0x3e: {  	_ =	shalt  }
0x3f: {  	_ =	shalt  }
0x40: {  	_ =	shalt  }
0x41: {  	_ =	shalt  }
0x42: {  	_ =	shalt  }
0x43: {  	_ =	shalt  }
0x44: {  	_ =	shalt  }
0x45: {  	_ =	shalt  }
0x46: {  	_ =	shalt  }
0x47: {  	_ =	shalt  }
0x48: {  	_ =	shalt  }
0x49: {  	_ =	shalt  }
0x4a: {  	_ =	shalt  }
0x4b: {  	_ =	shalt  }
0x4c: {  	_ =	shalt  }
0x4d: {  	_ =	shalt  }
0x4e: {  	_ =	shalt  }
0x4f: {  	_ =	shalt  }
0x50: {  	_ =	shalt  }
0x51: {  	_ =	shalt  }
0x52: {  	_ =	shalt  }
0x53: {  	_ =	shalt  }
0x54: {  	_ =	shalt  }
0x55: {  	_ =	shalt  }
0x56: {  	_ =	shalt  }
0x57: {  	_ =	shalt  }
0x58: {  	_ =	shalt  }
0x59: {  	_ =	shalt  }
0x5a: {  	_ =	shalt  }
0x5b: {  	_ =	shalt  }
0x5c: {  	_ =	shalt  }
0x5d: {  	_ =	shalt  }
0x5e: {  	_ =	shalt  }
0x5f: {  	_ =	shalt  }
0x60: {  	_ =	shalt  }
0x61: {  	_ =	shalt  }
0x62: {  	_ =	shalt  }
0x63: {  	_ =	shalt  }
0x64: {  	_ =	shalt  }
0x65: {  	_ =	shalt  }
0x66: {  	_ =	shalt  }
0x67: {  	_ =	shalt  }
0x68: {  	_ =	shalt  }
0x69: {  	_ =	shalt  }
0x6a: {  	_ =	shalt  }
0x6b: {  	_ =	shalt  }
0x6c: {  	_ =	shalt  }
0x6d: {  	_ =	shalt  }
0x6e: {  	_ =	shalt  }
0x6f: {  	_ =	shalt  }
0x70: {  	_ =	shalt  }
0x71: {  	_ =	shalt  }
0x72: {  	_ =	shalt  }
0x73: {  	_ =	shalt  }
0x74: {  	_ =	shalt  }
0x75: {  	_ =	shalt  }
0x76: {  	_ =	shalt  }
0x77: {  	_ =	shalt  }
0x78: {  	_ =	shalt  }
0x79: {  	_ =	shalt  }
0x7a: {  	_ =	shalt  }
0x7b: {  	_ =	shalt  }
0x7c: {  	_ =	shalt  }
0x7d: {  	_ =	shalt  }
0x7e: {  	_ =	shalt  }
0x7f: {  	_ =	shalt  }
0x80: {  	_ =	shalt  }
0x81: {  	_ =	shalt  }
0x82: {  	_ =	shalt  }
0x83: {  	_ =	shalt  }
0x84: {  	_ =	shalt  }
0x85: {  	_ =	shalt  }
0x86: {  	_ =	shalt  }
0x87: {  	_ =	shalt  }
.Lfunc_end0:
.L_simem_size_0:
called_computation.1_lowered:
.L_overlay_start_0:
0x88: {  	s2 =	sld [smem:$0x3FD9]  }
0x89: {  	s3 =	sld [smem:$0x3FFE];
	_ =	sdelay $0x1  }
0x8a: {  	s1 =	srdreg.scid  }
0x8b: {  	s0 =	sand.u32 $0x1, s1  }
0x8c: {  	s16 =	sshll.u32 s0, $0xA;
	s2 =	sadd.s32 s3, s2  }
0x8d: {  	s2 =	sadd.s32 s2, s16  }
0x8e: {  	[smem:$0x3FB9] =	sst s2  }
0x8f: {  	_ = 	snop  }
0x90: {  	(tm) =	ssettm $0x1  }
0x91: {  	s17 =	sld [smem:$0x3FFB];
	_ =	sdelay $0x3  }
0x92: {  	_ =	strace s17  }
0x93: {  	s2 =	sld [smem:$0x3FFC];
	_ =	sdelay $0x3  }
0x94: {  	_ =	strace s2  }
0x95: {  	s2 =	sld [smem:$0x3FFD];
	_ =	sdelay $0x3  }
0x96: {  	_ =	strace s2  }
0x97: {  	_ =	strace $0x8FFFFFFF  }
0x98: {  	s18 =	sld [smem:$0x3FDB];
	_ =	sdelay $0x1  }
0x99: {  	s19 =	simm.s32 $_scs_section_size  }
0x9a: {  	s4 =	simm.s32 $_size__tile_overlayer_lowered;
	s5 =	simm.s32 $_tile_overlayer_lowered  }
0x9b: {  	s22 =	simm.s32 $0x1BFF;
	s21 =	sshll.u32 s5, $0x1;
	s2 =	sadd.s32 s19, s18  }
0x9c: {  	s6 =	simm.s32 $0x0;
	s20 =	sshll.u32 s4, $0x1;
	s4 =	sadd.s32 s21, s2  }
0x9d: {  	[timem:s6], [sflag:s22] =	dma.local [hbm:s4], s20  }
0x9e: {  	_ =	swait.ge [sflag:s22], s20  }
0x9f: {  	s3 =	ssub.s32 $0x0, s20;
	[sflag:s22] =	ssyncset.done $0x0  }
0xa0: {  	[sflag:s22] =	ssyncadd.s32 s3;
	_ =	sdelay $0x1  }
0xa1: {  	s23 =	simm.s32 $0x1B8B  }
0xa2: {  	_ =	swait.ge [sflag:s23], $0x1  }
0xa3: {  	[sflag:s23] =	ssyncset.done $0x0  }
0xa4: {  	s25 =	simm.s32 $0x1B8E;
	s24 =	sld [smem:$0x3FFE];
	[sflag:s23] =	ssyncadd.s32 $0xFFFFFFFF  }
0xa5: {  	s26 =	simm.s32 $execute0_lowered;
	[smem:$0x3FD2] =	sst s25  }
0xa6: {  	s4 =	sshll.u32 s26, $0x1;
	_ =	strace $0x80000049;
	[dreg:$0x1] =	wrdreg $0xFFFFFFFF  }
0xa7: {  	s28 =	simm.s32 $_size_execute0_lowered;
	s2 =	sadd.s32 s2, s4;
	[dreg:$0x0] =	wrdreg $0x0  }
0xa8: {  	s4 =	sshll.u32 s28, $0x1;
	[dreg:$0x2] =	wrdreg s2  }
0xa9: {  	[dreg:$0x3] =	wrdreg s4  }
0xaa: {  	[dreg:$0x4] =	wrdreg $0xC0  }
0xab: {  	_ =	task [dreg:s6], $0x5FFFF  }
0xac: {  	[dreg:$0x1] =	wrdreg $0xFFFFFFFF  }
0xad: {  	[dreg:$0x0] =	wrdreg $0x60  }
0xae: {  	[dreg:$0x2] =	wrdreg s24  }
0xaf: {  	[dreg:$0x3] =	wrdreg $0x1A0000  }
0xb0: {  	[dreg:$0x4] =	wrdreg $0x9  }
0xb1: {  	_ =	task.clear_ibuf [dreg:s6], $0x5FFFF;
	_ =	strace $0x90000049  }
0xb2: {  	s29 =	simm.s32 $0x9;
	_ =	strace $0x8000004B  }
0xb3: {  	_ =	swait.ge [sflag:s29], $0x1  }
0xb4: {  	[sflag:s29] =	ssyncadd.s32 $0xFFFFFFFF  }
0xb5: {  	_ =	strace $0x9000004B  }
0xb6: {  	_ =	sfence  }
0xb7: {  	s30 =	sld [smem:$0x0];
	_ =	sdelay $0x2  }
0xb8: {  	s31 =	sshll.u32 s1, $0xD;
	s1 =	sshrl.u32 s1, $0x2  }
0xb9: {  	s3 =	sand.u32 $0x4000, s31;
	s1 =	sadd.s32 s1, s30  }
0xba: {  	s0 =	sor.u32 s3, s0;
	s1 =	sshll.u32 s1, $0x11  }
0xbb: {  	s0 =	sor.u32 s1, s0  }
0xbc: {  	s0 =	sadd.s32 $0x8F2B, s0  }
0xbd: {  	[sflag:s0] =	ssyncadd.remote.s32 $0x1  }
0xbe: {  	_ =	sfence.sel $0xFFFF  }
0xbf: {  	[dreg:$0x0] =	wrdreg $0xFFFFFFFF;
	(pc) =	sbr.abs _section_cstart, $3  }
0xc0: {  	[dreg:$0x1] =	wrdreg $0xFFFFFFFF  }
0xc1: {  	_ =	task.clear_ibuf [dreg:s6], $0x2FFFF;
	_ =	strace $0x9FFFFFFF  }
0xc2: {  	(tm) =	ssettm $0x7FFFFFFF  }
0xc3: {  	_ =	shalt  }
tec
execute0_lowered:
.L_overlay_start_1:
0x0: {  	(tag) =	ssettag $0x1  }
0x1: {  	s7 =	rddreg [dreg:$0x0]  }
0x2: {  	s2 =	rddreg [dreg:$0x1]  }
0x3: {  	s0 =	rddreg [dreg:$0x2];
	s3 =	simm.s32 $0x0;
	s1 =	stileid.u32  }
0x4: {  	s4 =	srdreg.scid;
	s15 =	simm.s32 $0x19000;
	s16 =	simm.s32 $0x7D0  }
0x5: {  	s17 =	simm.s32 $0x19800;
	s18 =	simm.s32 $0x0;
	[smem:$0x7FF] =	sst s3  }
0x6: {  	s8 =	smul.u32 $0x1880, s1;
	s9 =	sand.u32 $0x1, s4;
	s4 =	sadd.s32 $0x33800, s7  }
0x7: {  	s5 =	sadd.s32 $0x2A00, s7;
	s6 =	sadd.s32 $0x67800, s7;
	s14 =	sshll.u32 s1, $0x6  }
0x8: {  	_ =	strace $0x8000004A;
	s10 =	smul.u32 $0x18800, s9;
	s12 =	ssub.s32 $0x2, s9  }
0x9: {  	s30 =	sshll.u32 s9, $0x4;
	s11 =	sshrl.u32 s8, $0x3;
	s13 =	sshrl.u32 s12, $0x1  }
0xa: {  	s9 =	sor.u32 s1, s30;
	s31 =	sadd.s32 s8, s2;
	s10 =	sadd.s32 s8, s10  }
0xb: {  	s11 =	sadd.s32 s11, s7;
	s12 =	ssub.s32 s12, s13;
	s10 =	sshrl.u32 s10, $0x3  }
0xc: {  	s8 =	smul.u32 $0xC350, s9;
	s13 =	sshrl.u32 s31, $0x3;
	s10 =	sadd.s32 s10, s7  }
0xd: {  	s7 =	sadd.s32 $0x64600, s11;
	s11 =	simm.s32 $0x1;
	s9 =	sadd.s32 $0x6DC00, s10  }
0xe: {  	s10 =	smax.u32 s12, $0x1;
	s12 =	sor.u32 $0x1C01, s14;
	s14 =	simm.s32 $0x18800  }
.LBB2_1:
0xf: {  	[tilespmem:s3], [sflag:$0x1] =	stream.linear.gather [hbm4b:s6+s3], $0x18800, $0x38;
	[tilespmem:$0x1B880] =	vst v63  }
0x10: {  	_ =	swait.ge [sflag:s11], $0x18800  }
0x11: {  	[sflag:s11] =	ssyncset.done $0x0  }
0x12: {  	[sflag:s11] =	ssyncadd.s32 $0xFFFE7800  }
0x13: {  	[spmem:s13], [sflag:s12] =	dma.local [hbm:s7], $0x310  }
0x14: {  	_ =	swait.ge [sflag:s11], $0x310  }
0x15: {  	[sflag:s11] =	ssyncset.done $0x0  }
0x16: {  	[sflag:s11] =	ssyncadd.s32 $0xFFFFFCF0  }
0x17: {  	s19 =	simm.s32 $0x0;
	[bflag:$0x0] =	sbarrier.arrive $0xFFFF  }
.LBB2_2:
0x18: {  	s20 =	smul.u32 $0x7D0, s19;
	_ =	sdelay $0x1  }
0x19: {  	s20 =	sadd.s32 s8, s20  }
0x1a: {  	s20 =	sshrl.u32 s20, $0x3  }
0x1b: {  	s22 =	simm.s32 $0x0;
	s21 =	sadd.s32 s4, s20  }
0x1c: {  	[tilespmem:s14], [sflag:$0x1] =	stream.linear.gather [hbm4b:s21+s22], $0x7D0, $0x38;
	[tilespmem:$0x1B880] =	vst v63  }
0x1d: {  	_ =	swait.ge [sflag:s11], $0x7D0  }
0x1e: {  	[sflag:s11] =	ssyncset.done $0x0  }
0x1f: {  	s20 =	sadd.s32 s5, s20;
	[sflag:s11] =	ssyncadd.s32 $0xFFFFF830  }
0x20: {  	[tilespmem:s15], [sflag:$0x1] =	stream.linear.gather [hbm4b:s20+s22], $0x7D0, $0x38;
	[tilespmem:$0x1B880] =	vst v63  }
0x21: {  	_ =	swait.ge [sflag:s11], $0x7D0  }
0x22: {  	[sflag:s11] =	ssyncset.done $0x0  }
0x23: {  	s20 =	simm.s32 $0x0;
	[sflag:s11] =	ssyncadd.s32 $0xFFFFF830  }
0x24: {  	v0 =	vld [tilespmem:s20+$0x18800];
	_ =	sdelay $0x7  }
0x25: {  	s21 =	simm.s32 $0x10;
	s22 =	simm.s32 $0x80;
	v0 =	vld.idx.msk [tilespmem:v0+s3+$0x0], $0xffff  }
.LBB2_3:
0x26: {  	p0 =	sne.s32 s22, $0x1F00;
	v1 =	vld [tilespmem:s21+$0x18800];
	_ =	sdelay $0x3  }
.Ltmp0:
0x27: {  	(pc) =	sbr.rel @p0 .LBB2_3-.Ltmp0, $2  }
0x28: {  	[tilespmem:s20+$0x19800] =	vst v0;
	s20 =	smov.u32 s21;
	_ =	sdelay $0x2  }
0x29: {  	s21 =	sshra.s32 s22, $0x2;
	s22 =	sadd.s32 $0x40, s22;
	v0 =	vld.idx.msk [tilespmem:v1+s3+$0x0], $0xffff  }
0x2a: {  	v1 =	vld [tilespmem:s21+$0x18800];
	_ =	sdelay $0x6  }
0x2b: {  	[tilespmem:s20+$0x19800] =	vst v0  }
0x2c: {  	v0 =	vld.idx.msk [tilespmem:v1+s3+$0x0], $0xffff;
	_ =	sdelay $0x2  }
0x2d: {  	s19 =	sadd.s32 $0x1, s19  }
0x2e: {  	p0 =	sne.s32 s19, $0x19  }
.Ltmp1:
0x2f: {  	[tilespmem:s21+$0x19800] =	vst v0;
	(pc) =	sbr.rel @p0 .LBB2_2-.Ltmp1, $4  }
0x30: {  	[spmem:s2] =	stream.indirect.scatter.add.f32 [tilespmem:s17], [sflag:$0x1], $0x1, s15, s16, $0xb8;
	[tilespmem:$0x1B880] =	vst v63  }
0x31: {  	_ =	swait.ge [sflag:s11], $0x7D0  }
0x32: {  	[sflag:s11] =	ssyncset.done $0x0  }
0x33: {  	[sflag:s11] =	ssyncadd.s32 $0xFFFFF830  }
0x34: {  	s18 =	sadd.s32 $0x1, s18  }
0x35: {  	p0 =	sne.s32 s18, s10  }
.Ltmp2:
0x36: {  	[bflag:$0x0] =	sbarrier.arrive $0xFFFF;
	(pc) =	sbr.rel @p0 .LBB2_1-.Ltmp2, $4  }
0x37: {  	[hbm:s9], [sflag:s12] =	dma.local [spmem:s13], $0x310  }
0x38: {  	_ =	swait.ge [sflag:s11], $0x310  }
0x39: {  	[sflag:s11] =	ssyncset.done $0x0  }
0x3a: {  	[sflag:s11] =	ssyncadd.s32 $0xFFFFFCF0  }
0x3b: {  	_ =	sfence.sel $0x180000  }
0x3c: {  	[bflag:$0x0] =	sbarrier.arrive $0xFFFF  }
0x3d: {  	p0 =	sne.s32 s1, $0x0;
	_ =	strace $0x9000004A  }
0x3e: {  	s0 =	sadd.s32 @!p0 $0x100000, s0;
	[bflag:$0x2] =	sbarrier.arrive $0xFFFF  }
0x3f: {  	[sflag:s0] =	ssyncadd.tile.s32 @!p0 $0x1;
	_ =	shalt  }
.Lfunc_end2:
_tile_overlayer_lowered:
.L_overlay_start_2:
0x40: {  	(tag) =	ssettag $0x2  }
0x41: {  	s0 =	rddreg [dreg:$0x0];
	s2 =	stileid.u32  }
0x42: {  	s1 =	rddreg [dreg:$0x1];
	p0 =	sne.s32 s2, $0x0  }
0x43: {  	s3 =	rddreg [dreg:$0x2];
	[bflag:$0x3] =	sbarrier.arrive $0xFFFF;
	s2 =	simm.s32 @!p0 $0x1C01  }
0x44: {  	[timem:s3], [sflag:s2] =	dma.local @!p0 [hbm:s0], s1  }
0x45: {  	s0 =	simm.s32 @!p0 $0x1  }
0x46: {  	_ =	swait.ge @!p0 [sflag:s0], s1  }
0x47: {  	s1 =	ssub.s32 @!p0 $0x0, s1;
	[sflag:s0] =	ssyncset.done @!p0 $0x0  }
0x48: {  	[sflag:s0] =	ssyncadd.s32 @!p0 s1  }
0x49: {  	[bflag:$0x3] =	sbarrier.arrive $0xFFFF  }
0x4a: {  	_ =	shalt  }

// kernel: kernel.14.cloned.1.call-start
scs
__scs_entry_jumppad:
0x0: {  	(pc) =	sbr.rel $0x88, $3  }
0x1: {  	(tag) =	ssettag $0x0;
	lr =	simm.s32 $0x1  }
0x2: {  	[smem:$0x3F92] =	sst lr;
	_ =	strace $0xD0000000  }
0x3: {  	_ = 	snop  }
0x4: {  	_ = 	snop  }
0x5: {  	_ = 	snop  }
0x6: {  	_ = 	snop  }
0x7: {  	_ = 	snop  }
__scs_overlays_trampoline_lowered:
0x8: {  	[smem:$0x3FA1] =	sst s0  }
0x9: {  	[smem:$0x3FA2] =	sst s1  }
0xa: {  	[smem:$0x3FA3] =	sst s2  }
0xb: {  	[smem:$0x3FA4] =	sst s3  }
0xc: {  	[smem:$0x3FA5] =	sst s4  }
0xd: {  	[smem:$0x3FA6] =	sst s5  }
0xe: {  	[smem:$0x3FA7] =	sst s6  }
0xf: {  	[smem:$0x3FA8] =	sst s7  }
0x10: {  	[smem:$0x3FA9] =	sst s8  }
0x11: {  	[smem:$0x3FAA] =	sst s9;
	s0 =	simm.s32 @!p0 $0x0  }
0x12: {  	s1 =	sld [smem:$0x3F90];
	s0 =	simm.s32 @p0 $0x1  }
0x13: {  	[smem:$0x3FAB] =	sst s0;
	s0 =	simm.s32 @!p1 $0x0  }
0x14: {  	s2 =	sld [smem:$0x3F8F];
	s0 =	simm.s32 @p1 $0x1  }
0x15: {  	[smem:$0x3FAC] =	sst s0;
	s0 =	simm.s32 @!p2 $0x0  }
0x16: {  	s3 =	sld [smem:$0x3FDB];
	s0 =	simm.s32 @p2 $0x1  }
0x17: {  	s4 =	simm.s32 $0x1BF5;
	[smem:$0x3FAE] =	sst s0  }
0x18: {  	s0 =	sld [smem:$0x3F91];
	_ =	swait.ge [sflag:s4], $0x0  }
0x19: {  	s7 =	sld [smem:$0x3F92]  }
0x1a: {  	s8 =	sadd.s32 $0xFFFFE003, lr  }
0x1b: {  	s9 =	sadd.s32 $0xFFFFFEF7, lr;
	s5 =	simm.s32 $0xFFFFFFFF;
	p2 =	slt.u32 s8, $0xFFFFF086  }
0x1c: {  	p1 =	slt.u32 s9, $0xF7A;
	s5 =	simm.s32 @!p2 $0x0  }
0x1d: {  	s5 =	simm.s32 @p1 $0x1;
	p0 =	seq.s32 s7, s2  }
0x1e: {  	s7 =	smul.u32 @!p0 $0xF7A, s2;
	p2 =	seq.s32 @!p0 s5, $0x0  }
0x1f: {  	s9 =	smul.u32 $0xF7A, s1;
	s8 =	simm.s32 @!p0 $0x1BF5;
	p2 =	por !p2, p0  }
0x20: {  	[sflag:s8] =	ssyncset.s32 @!p0 $0xFFFFF086;
	s6 =	sadd.s32 @!p0 s3, s7;
	s7 =	simm.s32 @!p0 $0x108  }
0x21: {  	s3 =	sadd.s32 s3, s9;
	s6 =	sadd.s32 @!p0 $0x88, s6;
	s7 =	simm.s32 @p2 $0x1082  }
0x22: {  	[simem:s7], [sflag:s8] =	dma.local @!p0 [hbm:s6], $0xF7A  }
0x23: {  	s9 =	sor.u32 $0xD0000000, s2;
	s6 =	simm.s32 $0x108;
	_ =	swait.ge @!p0 [sflag:s8], $0x0  }
0x24: {  	s3 =	sadd.s32 $0x88, s3;
	s6 =	simm.s32 @!p1 $0x1082;
	[sflag:s4] =	ssyncset.s32 $0xFFFFF086  }
0x25: {  	[simem:s6], [sflag:s4] =	dma.local [hbm:s3], $0xF7A  }
0x26: {  	[smem:$0x3F92] =	sst s1;
	(tag) =	ssettag s2;
	_ =	strace s9  }
0x27: {  	s1 =	sld [smem:$0x3FA2]  }
0x28: {  	s2 =	sld [smem:$0x3FA3]  }
0x29: {  	s4 =	sld [smem:$0x3FA5]  }
0x2a: {  	p0 =	seq.s32 s5, $0x0;
	s5 =	sld [smem:$0x3FA6]  }
0x2b: {  	s6 =	sld [smem:$0x3FA7]  }
0x2c: {  	s7 =	sld [smem:$0x3FA8]  }
0x2d: {  	s3 =	simm.s32 $0x108;
	s8 =	sld [smem:$0x3FA9]  }
0x2e: {  	s3 =	simm.s32 @!p0 $0x1082;
	s9 =	sld [smem:$0x3FAA]  }
0x2f: {  	lr =	sadd.s32 s0, s3;
	s0 =	sld [smem:$0x3FA1]  }
0x30: {  	s3 =	sld [smem:$0x3FA4]  }
0x31: {  	[smem:$0x3FAD] =	sst s10  }
0x32: {  	s10 =	sld [smem:$0x3FAB];
	_ =	sdelay $0x3  }
0x33: {  	p0 =	seq.s32 s10, $0x1;
	s10 =	sld [smem:$0x3FAD];
	_ =	sdelay $0x3  }
0x34: {  	[smem:$0x3FAD] =	sst s10  }
0x35: {  	s10 =	sld [smem:$0x3FAC];
	_ =	sdelay $0x3  }
0x36: {  	p1 =	seq.s32 s10, $0x1;
	s10 =	sld [smem:$0x3FAD];
	_ =	sdelay $0x3  }
0x37: {  	[smem:$0x3FAD] =	sst s10  }
0x38: {  	s10 =	sld [smem:$0x3FAE]  }
0x39: {  	_ = 	snop;
	(pc) =	sbr.ind lr, $3  }
0x3a: {  	_ = 	snop  }
0x3b: {  	_ = 	snop  }
0x3c: {  	p2 =	seq.s32 s10, $0x1;
	s10 =	sld [smem:$0x3FAD]  }
0x3d: {  	_ =	shalt  }
0x3e: {  	_ =	shalt  }
0x3f: {  	_ =	shalt  }
0x40: {  	_ =	shalt  }
0x41: {  	_ =	shalt  }
0x42: {  	_ =	shalt  }
0x43: {  	_ =	shalt  }
0x44: {  	_ =	shalt  }
0x45: {  	_ =	shalt  }
0x46: {  	_ =	shalt  }
0x47: {  	_ =	shalt  }
0x48: {  	_ =	shalt  }
0x49: {  	_ =	shalt  }
0x4a: {  	_ =	shalt  }
0x4b: {  	_ =	shalt  }
0x4c: {  	_ =	shalt  }
0x4d: {  	_ =	shalt  }
0x4e: {  	_ =	shalt  }
0x4f: {  	_ =	shalt  }
0x50: {  	_ =	shalt  }
0x51: {  	_ =	shalt  }
0x52: {  	_ =	shalt  }
0x53: {  	_ =	shalt  }
0x54: {  	_ =	shalt  }
0x55: {  	_ =	shalt  }
0x56: {  	_ =	shalt  }
0x57: {  	_ =	shalt  }
0x58: {  	_ =	shalt  }
0x59: {  	_ =	shalt  }
0x5a: {  	_ =	shalt  }
0x5b: {  	_ =	shalt  }
0x5c: {  	_ =	shalt  }
0x5d: {  	_ =	shalt  }
0x5e: {  	_ =	shalt  }
0x5f: {  	_ =	shalt  }
0x60: {  	_ =	shalt  }
0x61: {  	_ =	shalt  }
0x62: {  	_ =	shalt  }
0x63: {  	_ =	shalt  }
0x64: {  	_ =	shalt  }
0x65: {  	_ =	shalt  }
0x66: {  	_ =	shalt  }
0x67: {  	_ =	shalt  }
0x68: {  	_ =	shalt  }
0x69: {  	_ =	shalt  }
0x6a: {  	_ =	shalt  }
0x6b: {  	_ =	shalt  }
0x6c: {  	_ =	shalt  }
0x6d: {  	_ =	shalt  }
0x6e: {  	_ =	shalt  }
0x6f: {  	_ =	shalt  }
0x70: {  	_ =	shalt  }
0x71: {  	_ =	shalt  }
0x72: {  	_ =	shalt  }
0x73: {  	_ =	shalt  }
0x74: {  	_ =	shalt  }
0x75: {  	_ =	shalt  }
0x76: {  	_ =	shalt  }
0x77: {  	_ =	shalt  }
0x78: {  	_ =	shalt  }
0x79: {  	_ =	shalt  }
0x7a: {  	_ =	shalt  }
0x7b: {  	_ =	shalt  }
0x7c: {  	_ =	shalt  }
0x7d: {  	_ =	shalt  }
0x7e: {  	_ =	shalt  }
0x7f: {  	_ =	shalt  }
0x80: {  	_ =	shalt  }
0x81: {  	_ =	shalt  }
0x82: {  	_ =	shalt  }
0x83: {  	_ =	shalt  }
0x84: {  	_ =	shalt  }
0x85: {  	_ =	shalt  }
0x86: {  	_ =	shalt  }
0x87: {  	_ =	shalt  }
.Lfunc_end0:
.L_simem_size_0:
called_computation.2_lowered:
.L_overlay_start_0:
0x88: {  	s2 =	sld [smem:$0x3FD9]  }
0x89: {  	s3 =	sld [smem:$0x3FFE];
	_ =	sdelay $0x1  }
0x8a: {  	s1 =	srdreg.scid  }
0x8b: {  	s0 =	sand.u32 $0x1, s1  }
0x8c: {  	s16 =	sshll.u32 s0, $0xA;
	s2 =	sadd.s32 s3, s2  }
0x8d: {  	s2 =	sadd.s32 s2, s16  }
0x8e: {  	[smem:$0x3FB9] =	sst s2  }
0x8f: {  	_ = 	snop  }
0x90: {  	(tm) =	ssettm $0x1  }
0x91: {  	s17 =	sld [smem:$0x3FFB];
	_ =	sdelay $0x3  }
0x92: {  	_ =	strace s17  }
0x93: {  	s2 =	sld [smem:$0x3FFC];
	_ =	sdelay $0x3  }
0x94: {  	_ =	strace s2  }
0x95: {  	s2 =	sld [smem:$0x3FFD];
	_ =	sdelay $0x3  }
0x96: {  	_ =	strace s2  }
0x97: {  	_ =	strace $0x8FFFFFFF  }
0x98: {  	s18 =	sld [smem:$0x3FDB];
	_ =	sdelay $0x1  }
0x99: {  	s19 =	simm.s32 $_scs_section_size  }
0x9a: {  	s4 =	simm.s32 $_size__tile_overlayer_lowered;
	s5 =	simm.s32 $_tile_overlayer_lowered  }
0x9b: {  	s22 =	simm.s32 $0x1BFF;
	s21 =	sshll.u32 s5, $0x1;
	s2 =	sadd.s32 s19, s18  }
0x9c: {  	s6 =	simm.s32 $0x0;
	s20 =	sshll.u32 s4, $0x1;
	s4 =	sadd.s32 s21, s2  }
0x9d: {  	[timem:s6], [sflag:s22] =	dma.local [hbm:s4], s20  }
0x9e: {  	_ =	swait.ge [sflag:s22], s20  }
0x9f: {  	s3 =	ssub.s32 $0x0, s20;
	[sflag:s22] =	ssyncset.done $0x0  }
0xa0: {  	[sflag:s22] =	ssyncadd.s32 s3;
	_ =	sdelay $0x1  }
0xa1: {  	s23 =	simm.s32 $0x1B8B  }
0xa2: {  	_ =	swait.ge [sflag:s23], $0x1  }
0xa3: {  	[sflag:s23] =	ssyncset.done $0x0  }
0xa4: {  	s25 =	simm.s32 $0x1B8E;
	s24 =	sld [smem:$0x3FFE];
	[sflag:s23] =	ssyncadd.s32 $0xFFFFFFFF  }
0xa5: {  	s26 =	simm.s32 $execute0_lowered;
	[smem:$0x3FD2] =	sst s25  }
0xa6: {  	s4 =	sshll.u32 s26, $0x1;
	_ =	strace $0x8000004C;
	[dreg:$0x1] =	wrdreg $0xFFFFFFFF  }
0xa7: {  	s28 =	simm.s32 $_size_execute0_lowered;
	s2 =	sadd.s32 s2, s4;
	[dreg:$0x0] =	wrdreg $0x0  }
0xa8: {  	s4 =	sshll.u32 s28, $0x1;
	[dreg:$0x2] =	wrdreg s2  }
0xa9: {  	[dreg:$0x3] =	wrdreg s4  }
0xaa: {  	[dreg:$0x4] =	wrdreg $0xC0  }
0xab: {  	_ =	task [dreg:s6], $0x5FFFF  }
0xac: {  	[dreg:$0x1] =	wrdreg $0xFFFFFFFF  }
0xad: {  	[dreg:$0x0] =	wrdreg $0x60  }
0xae: {  	[dreg:$0x2] =	wrdreg s24  }
0xaf: {  	[dreg:$0x3] =	wrdreg $0x46500  }
0xb0: {  	[dreg:$0x4] =	wrdreg $0x9  }
0xb1: {  	_ =	task.clear_ibuf [dreg:s6], $0x5FFFF;
	_ =	strace $0x9000004C  }
0xb2: {  	s29 =	simm.s32 $0x9;
	_ =	strace $0x8000004E  }
0xb3: {  	_ =	swait.ge [sflag:s29], $0x1  }
0xb4: {  	[sflag:s29] =	ssyncadd.s32 $0xFFFFFFFF  }
0xb5: {  	_ =	strace $0x9000004E  }
0xb6: {  	_ =	sfence  }
0xb7: {  	s30 =	sld [smem:$0x0];
	_ =	sdelay $0x2  }
0xb8: {  	s31 =	sshll.u32 s1, $0xD;
	s1 =	sshrl.u32 s1, $0x2  }
0xb9: {  	s3 =	sand.u32 $0x4000, s31;
	s1 =	sadd.s32 s1, s30  }
0xba: {  	s0 =	sor.u32 s3, s0;
	s1 =	sshll.u32 s1, $0x11  }
0xbb: {  	s0 =	sor.u32 s1, s0  }
0xbc: {  	s0 =	sadd.s32 $0x8F2B, s0  }
0xbd: {  	[sflag:s0] =	ssyncadd.remote.s32 $0x1  }
0xbe: {  	_ =	sfence.sel $0xFFFF  }
0xbf: {  	[dreg:$0x0] =	wrdreg $0xFFFFFFFF;
	(pc) =	sbr.abs _section_cstart, $3  }
0xc0: {  	[dreg:$0x1] =	wrdreg $0xFFFFFFFF  }
0xc1: {  	_ =	task.clear_ibuf [dreg:s6], $0x2FFFF;
	_ =	strace $0x9FFFFFFF  }
0xc2: {  	(tm) =	ssettm $0x7FFFFFFF  }
0xc3: {  	_ =	shalt  }
tec
execute0_lowered:
.L_overlay_start_1:
0x0: {  	(tag) =	ssettag $0x1  }
0x1: {  	s7 =	rddreg [dreg:$0x0]  }
0x2: {  	s2 =	rddreg [dreg:$0x1]  }
0x3: {  	s0 =	rddreg [dreg:$0x2];
	s1 =	stileid.u32  }
0x4: {  	s4 =	srdreg.scid;
	s3 =	simm.s32 $0x0;
	s14 =	simm.s32 $0x3E8  }
0x5: {  	s16 =	simm.s32 $0x1;
	s17 =	simm.s32 $0x0;
	s21 =	simm.s32 $0x0  }
0x6: {  	s8 =	smul.u32 $0x18800, s1;
	s9 =	sand.u32 $0x1, s4;
	[smem:$0x7FF] =	sst s3  }
0x7: {  	s10 =	smul.u32 $0x1880, s1;
	s4 =	sadd.s32 $0x33800, s7;
	s5 =	sadd.s32 $0x2A00, s7  }
0x8: {  	s6 =	sadd.s32 $0x3DFC00, s7;
	s31 =	sshll.u32 s1, $0x6;
	s15 =	smul.u32 $0x18800, s9  }
0x9: {  	_ =	strace $0x8000004D;
	s9 =	ssub.s32 $0x2, s9;
	s11 =	sshrl.u32 s8, $0x3  }
0xa: {  	s12 =	sshrl.u32 s9, $0x1;
	s13 =	sadd.s32 s8, s2;
	s8 =	sor.u32 $0x1C02, s31  }
0xb: {  	s10 =	sadd.s32 s10, s15;
	s11 =	sadd.s32 s11, s7;
	s12 =	ssub.s32 s9, s12  }
0xc: {  	s9 =	smul.u32 $0x186A0, s1;
	v0 =	vmov s15;
	s15 =	simm.s32 $0x7D0;
	s10 =	sshll.u32 s10, $0x1  }
0xd: {  	s10 =	sadd.s32 s10, s7;
	s7 =	sadd.s32 $0xCFC00, s11;
	s11 =	smax.u32 s12, $0x1  }
0xe: {  	s12 =	sshrl.u32 s13, $0x3;
	s13 =	simm.s32 $0x2;
	s10 =	sadd.s32 $0x100C00, s10  }
.LBB2_1:
0xf: {  	[spmem:s12], [sflag:s8] =	dma.local [hbm:s7], $0x3100  }
0x10: {  	_ =	swait.ge [sflag:s13], $0x3100  }
0x11: {  	[sflag:s13] =	ssyncset.done $0x0  }
0x12: {  	[sflag:s13] =	ssyncadd.s32 $0xFFFFCF00  }
0x13: {  	s18 =	simm.s32 $0x0;
	[bflag:$0x0] =	sbarrier.arrive $0xFFFF  }
.LBB2_2:
0x14: {  	s19 =	smul.u32 $0x3E8, s18;
	_ =	sdelay $0x1  }
0x15: {  	s19 =	sadd.s32 s9, s19  }
0x16: {  	s19 =	sshrl.u32 s19, $0x3  }
0x17: {  	s20 =	sadd.s32 s4, s19  }
0x18: {  	[tilespmem:s21], [sflag:$0x2] =	stream.linear.gather [hbm4b:s20+s21], $0x3E8, $0x38;
	[tilespmem:$0x1CE50] =	vst v63  }
0x19: {  	_ =	swait.ge [sflag:s13], $0x3E8  }
0x1a: {  	[sflag:s13] =	ssyncset.done $0x0  }
0x1b: {  	s19 =	sadd.s32 s5, s19;
	[sflag:s13] =	ssyncadd.s32 $0xFFFFFC18  }
0x1c: {  	[tilespmem:s14], [sflag:$0x2] =	stream.linear.gather [hbm4b:s19+s21], $0x3E8, $0x38;
	[tilespmem:$0x1CE50] =	vst v63  }
0x1d: {  	_ =	swait.ge [sflag:s13], $0x3E8  }
0x1e: {  	[sflag:s13] =	ssyncset.done $0x0  }
0x1f: {  	s20 =	simm.s32 $0x40;
	s19 =	simm.s32 $0x0;
	[sflag:s13] =	ssyncadd.s32 $0xFFFFFC18  }
.LBB2_3:
0x20: {  	p0 =	sne.s32 s20, $0xF40;
	v1 =	vld [tilespmem:s19+$0x0];
	_ =	sdelay $0x1  }
.Ltmp0:
0x21: {  	(pc) =	sbr.rel @p0 .LBB2_3-.Ltmp0, $3  }
0x22: {  	_ =	sdelay $0x1  }
0x23: {  	v1 =	vadd.s32 v0, v1  }
0x24: {  	[tilespmem:s19+$0x0] =	vst v1;
	s19 =	sshra.s32 s20, $0x2;
	s20 =	sadd.s32 $0x40, s20  }
0x25: {  	v1 =	vld [tilespmem:s19+$0x0];
	_ =	sdelay $0x4  }
0x26: {  	v1 =	vadd.s32 v0, v1  }
0x27: {  	[tilespmem:s19+$0x0] =	vst v1  }
0x28: {  	[tilespmem:s15], [sflag:$0x1] =	stream.indirect.gather [hbm4b:s6+s14], $0x10, s3, s14, $0xb8;
	[tilespmem:$0x1CE50] =	vst v63  }
0x29: {  	s18 =	sadd.s32 $0x1, s18;
	_ =	swait.ge [sflag:s16], $0x3E80  }
0x2a: {  	p0 =	sne.s32 s18, $0x64;
	[sflag:s16] =	ssyncset.done $0x0  }
.Ltmp1:
0x2b: {  	[sflag:s16] =	ssyncadd.s32 $0xFFFFC180;
	(pc) =	sbr.rel @p0 .LBB2_2-.Ltmp1, $4  }
0x2c: {  	[spmem:s2] =	stream.indirect.scatter.add.f32 [tilespmem:s15], [sflag:$0x2], $0x10, s14, s14, $0xb8;
	[tilespmem:$0x1CE50] =	vst v63  }
0x2d: {  	_ =	swait.ge [sflag:s13], $0x3E80  }
0x2e: {  	[sflag:s13] =	ssyncset.done $0x0  }
0x2f: {  	[sflag:s13] =	ssyncadd.s32 $0xFFFFC180  }
0x30: {  	s17 =	sadd.s32 $0x1, s17  }
0x31: {  	p0 =	sne.s32 s17, s11  }
.Ltmp2:
0x32: {  	[bflag:$0x0] =	sbarrier.arrive $0xFFFF;
	(pc) =	sbr.rel @p0 .LBB2_1-.Ltmp2, $4  }
0x33: {  	[hbm:s10], [sflag:s8] =	dma.local [spmem:s12], $0x3100  }
0x34: {  	_ =	swait.ge [sflag:s13], $0x3100  }
0x35: {  	[sflag:s13] =	ssyncset.done $0x0  }
0x36: {  	[sflag:s13] =	ssyncadd.s32 $0xFFFFCF00  }
0x37: {  	_ =	sfence.sel $0x180000  }
0x38: {  	[bflag:$0x0] =	sbarrier.arrive $0xFFFF  }
0x39: {  	p0 =	sne.s32 s1, $0x0;
	_ =	strace $0x9000004D  }
0x3a: {  	s0 =	sadd.s32 @!p0 $0x100000, s0;
	[bflag:$0x2] =	sbarrier.arrive $0xFFFF  }
0x3b: {  	[sflag:s0] =	ssyncadd.tile.s32 @!p0 $0x1;
	_ =	shalt  }
.Lfunc_end2:
_tile_overlayer_lowered:
.L_overlay_start_2:
0x3c: {  	(tag) =	ssettag $0x2  }
0x3d: {  	s0 =	rddreg [dreg:$0x0];
	s2 =	stileid.u32  }
0x3e: {  	s1 =	rddreg [dreg:$0x1];
	p0 =	sne.s32 s2, $0x0  }
0x3f: {  	s3 =	rddreg [dreg:$0x2];
	[bflag:$0x3] =	sbarrier.arrive $0xFFFF;
	s2 =	simm.s32 @!p0 $0x1C02  }
0x40: {  	[timem:s3], [sflag:s2] =	dma.local @!p0 [hbm:s0], s1  }
0x41: {  	s0 =	simm.s32 @!p0 $0x2  }
0x42: {  	_ =	swait.ge @!p0 [sflag:s0], s1  }
0x43: {  	s1 =	ssub.s32 @!p0 $0x0, s1;
	[sflag:s0] =	ssyncset.done @!p0 $0x0  }
0x44: {  	[sflag:s0] =	ssyncadd.s32 @!p0 s1  }
0x45: {  	[bflag:$0x3] =	sbarrier.arrive $0xFFFF  }
0x46: {  	_ =	shalt  }

// kernel: kernel.8.cloned.1.call-start
scs
__scs_entry_jumppad:
0x0: {  	(pc) =	sbr.rel $0x88, $3  }
0x1: {  	(tag) =	ssettag $0x0;
	lr =	simm.s32 $0x1  }
0x2: {  	[smem:$0x3F92] =	sst lr;
	_ =	strace $0xD0000000  }
0x3: {  	_ = 	snop  }
0x4: {  	_ = 	snop  }
0x5: {  	_ = 	snop  }
0x6: {  	_ = 	snop  }
0x7: {  	_ = 	snop  }
__scs_overlays_trampoline_lowered:
0x8: {  	[smem:$0x3FA1] =	sst s0  }
0x9: {  	[smem:$0x3FA2] =	sst s1  }
0xa: {  	[smem:$0x3FA3] =	sst s2  }
0xb: {  	[smem:$0x3FA4] =	sst s3  }
0xc: {  	[smem:$0x3FA5] =	sst s4  }
0xd: {  	[smem:$0x3FA6] =	sst s5  }
0xe: {  	[smem:$0x3FA7] =	sst s6  }
0xf: {  	[smem:$0x3FA8] =	sst s7  }
0x10: {  	[smem:$0x3FA9] =	sst s8  }
0x11: {  	[smem:$0x3FAA] =	sst s9;
	s0 =	simm.s32 @!p0 $0x0  }
0x12: {  	s1 =	sld [smem:$0x3F90];
	s0 =	simm.s32 @p0 $0x1  }
0x13: {  	[smem:$0x3FAB] =	sst s0;
	s0 =	simm.s32 @!p1 $0x0  }
0x14: {  	s2 =	sld [smem:$0x3F8F];
	s0 =	simm.s32 @p1 $0x1  }
0x15: {  	[smem:$0x3FAC] =	sst s0;
	s0 =	simm.s32 @!p2 $0x0  }
0x16: {  	s3 =	sld [smem:$0x3FDB];
	s0 =	simm.s32 @p2 $0x1  }
0x17: {  	s4 =	simm.s32 $0x1BF5;
	[smem:$0x3FAE] =	sst s0  }
0x18: {  	s0 =	sld [smem:$0x3F91];
	_ =	swait.ge [sflag:s4], $0x0  }
0x19: {  	s7 =	sld [smem:$0x3F92]  }
0x1a: {  	s8 =	sadd.s32 $0xFFFFE003, lr  }
0x1b: {  	s9 =	sadd.s32 $0xFFFFFEF7, lr;
	s5 =	simm.s32 $0xFFFFFFFF;
	p2 =	slt.u32 s8, $0xFFFFF086  }
0x1c: {  	p1 =	slt.u32 s9, $0xF7A;
	s5 =	simm.s32 @!p2 $0x0  }
0x1d: {  	s5 =	simm.s32 @p1 $0x1;
	p0 =	seq.s32 s7, s2  }
0x1e: {  	s7 =	smul.u32 @!p0 $0xF7A, s2;
	p2 =	seq.s32 @!p0 s5, $0x0  }
0x1f: {  	s9 =	smul.u32 $0xF7A, s1;
	s8 =	simm.s32 @!p0 $0x1BF5;
	p2 =	por !p2, p0  }
0x20: {  	[sflag:s8] =	ssyncset.s32 @!p0 $0xFFFFF086;
	s6 =	sadd.s32 @!p0 s3, s7;
	s7 =	simm.s32 @!p0 $0x108  }
0x21: {  	s3 =	sadd.s32 s3, s9;
	s6 =	sadd.s32 @!p0 $0x88, s6;
	s7 =	simm.s32 @p2 $0x1082  }
0x22: {  	[simem:s7], [sflag:s8] =	dma.local @!p0 [hbm:s6], $0xF7A  }
0x23: {  	s9 =	sor.u32 $0xD0000000, s2;
	s6 =	simm.s32 $0x108;
	_ =	swait.ge @!p0 [sflag:s8], $0x0  }
0x24: {  	s3 =	sadd.s32 $0x88, s3;
	s6 =	simm.s32 @!p1 $0x1082;
	[sflag:s4] =	ssyncset.s32 $0xFFFFF086  }
0x25: {  	[simem:s6], [sflag:s4] =	dma.local [hbm:s3], $0xF7A  }
0x26: {  	[smem:$0x3F92] =	sst s1;
	(tag) =	ssettag s2;
	_ =	strace s9  }
0x27: {  	s1 =	sld [smem:$0x3FA2]  }
0x28: {  	s2 =	sld [smem:$0x3FA3]  }
0x29: {  	s4 =	sld [smem:$0x3FA5]  }
0x2a: {  	p0 =	seq.s32 s5, $0x0;
	s5 =	sld [smem:$0x3FA6]  }
0x2b: {  	s6 =	sld [smem:$0x3FA7]  }
0x2c: {  	s7 =	sld [smem:$0x3FA8]  }
0x2d: {  	s3 =	simm.s32 $0x108;
	s8 =	sld [smem:$0x3FA9]  }
0x2e: {  	s3 =	simm.s32 @!p0 $0x1082;
	s9 =	sld [smem:$0x3FAA]  }
0x2f: {  	lr =	sadd.s32 s0, s3;
	s0 =	sld [smem:$0x3FA1]  }
0x30: {  	s3 =	sld [smem:$0x3FA4]  }
0x31: {  	[smem:$0x3FAD] =	sst s10  }
0x32: {  	s10 =	sld [smem:$0x3FAB];
	_ =	sdelay $0x3  }
0x33: {  	p0 =	seq.s32 s10, $0x1;
	s10 =	sld [smem:$0x3FAD];
	_ =	sdelay $0x3  }
0x34: {  	[smem:$0x3FAD] =	sst s10  }
0x35: {  	s10 =	sld [smem:$0x3FAC];
	_ =	sdelay $0x3  }
0x36: {  	p1 =	seq.s32 s10, $0x1;
	s10 =	sld [smem:$0x3FAD];
	_ =	sdelay $0x3  }
0x37: {  	[smem:$0x3FAD] =	sst s10  }
0x38: {  	s10 =	sld [smem:$0x3FAE]  }
0x39: {  	_ = 	snop;
	(pc) =	sbr.ind lr, $3  }
0x3a: {  	_ = 	snop  }
0x3b: {  	_ = 	snop  }
0x3c: {  	p2 =	seq.s32 s10, $0x1;
	s10 =	sld [smem:$0x3FAD]  }
0x3d: {  	_ =	shalt  }
0x3e: {  	_ =	shalt  }
0x3f: {  	_ =	shalt  }
0x40: {  	_ =	shalt  }
0x41: {  	_ =	shalt  }
0x42: {  	_ =	shalt  }
0x43: {  	_ =	shalt  }
0x44: {  	_ =	shalt  }
0x45: {  	_ =	shalt  }
0x46: {  	_ =	shalt  }
0x47: {  	_ =	shalt  }
0x48: {  	_ =	shalt  }
0x49: {  	_ =	shalt  }
0x4a: {  	_ =	shalt  }
0x4b: {  	_ =	shalt  }
0x4c: {  	_ =	shalt  }
0x4d: {  	_ =	shalt  }
0x4e: {  	_ =	shalt  }
0x4f: {  	_ =	shalt  }
0x50: {  	_ =	shalt  }
0x51: {  	_ =	shalt  }
0x52: {  	_ =	shalt  }
0x53: {  	_ =	shalt  }
0x54: {  	_ =	shalt  }
0x55: {  	_ =	shalt  }
0x56: {  	_ =	shalt  }
0x57: {  	_ =	shalt  }
0x58: {  	_ =	shalt  }
0x59: {  	_ =	shalt  }
0x5a: {  	_ =	shalt  }
0x5b: {  	_ =	shalt  }
0x5c: {  	_ =	shalt  }
0x5d: {  	_ =	shalt  }
0x5e: {  	_ =	shalt  }
0x5f: {  	_ =	shalt  }
0x60: {  	_ =	shalt  }
0x61: {  	_ =	shalt  }
0x62: {  	_ =	shalt  }
0x63: {  	_ =	shalt  }
0x64: {  	_ =	shalt  }
0x65: {  	_ =	shalt  }
0x66: {  	_ =	shalt  }
0x67: {  	_ =	shalt  }
0x68: {  	_ =	shalt  }
0x69: {  	_ =	shalt  }
0x6a: {  	_ =	shalt  }
0x6b: {  	_ =	shalt  }
0x6c: {  	_ =	shalt  }
0x6d: {  	_ =	shalt  }
0x6e: {  	_ =	shalt  }
0x6f: {  	_ =	shalt  }
0x70: {  	_ =	shalt  }
0x71: {  	_ =	shalt  }
0x72: {  	_ =	shalt  }
0x73: {  	_ =	shalt  }
0x74: {  	_ =	shalt  }
0x75: {  	_ =	shalt  }
0x76: {  	_ =	shalt  }
0x77: {  	_ =	shalt  }
0x78: {  	_ =	shalt  }
0x79: {  	_ =	shalt  }
0x7a: {  	_ =	shalt  }
0x7b: {  	_ =	shalt  }
0x7c: {  	_ =	shalt  }
0x7d: {  	_ =	shalt  }
0x7e: {  	_ =	shalt  }
0x7f: {  	_ =	shalt  }
0x80: {  	_ =	shalt  }
0x81: {  	_ =	shalt  }
0x82: {  	_ =	shalt  }
0x83: {  	_ =	shalt  }
0x84: {  	_ =	shalt  }
0x85: {  	_ =	shalt  }
0x86: {  	_ =	shalt  }
0x87: {  	_ =	shalt  }
.Lfunc_end0:
.L_simem_size_0:
called_computation_lowered:
.L_overlay_start_0:
0x88: {  	s2 =	sld [smem:$0x3FD9]  }
0x89: {  	s3 =	sld [smem:$0x3FFE];
	_ =	sdelay $0x1  }
0x8a: {  	s1 =	srdreg.scid  }
0x8b: {  	s0 =	sand.u32 $0x1, s1  }
0x8c: {  	s17 =	sshll.u32 s0, $0xA;
	s2 =	sadd.s32 s3, s2  }
0x8d: {  	s2 =	sadd.s32 s2, s17  }
0x8e: {  	[smem:$0x3FB9] =	sst s2  }
0x8f: {  	_ = 	snop  }
0x90: {  	s2 =	sld [smem:$0x3FD0];
	(tm) =	ssettm $0x1  }
0x91: {  	s18 =	sld [smem:$0x3FFB];
	_ =	sdelay $0x3  }
0x92: {  	_ =	strace s18  }
0x93: {  	s3 =	sld [smem:$0x3FFC];
	_ =	sdelay $0x3  }
0x94: {  	_ =	strace s3  }
0x95: {  	s3 =	sld [smem:$0x3FFD];
	_ =	sdelay $0x3  }
0x96: {  	_ =	strace s3  }
0x97: {  	_ =	strace $0x8FFFFFFF  }
0x98: {  	s19 =	sld [smem:$0x3FDB];
	_ =	sdelay $0x1  }
0x99: {  	s4 =	simm.s32 $_scs_section_size  }
0x9a: {  	s5 =	simm.s32 $_size__tile_overlayer_lowered;
	s6 =	simm.s32 $_tile_overlayer_lowered  }
0x9b: {  	s22 =	simm.s32 $0x1BFF;
	s21 =	sshll.u32 s6, $0x1;
	s3 =	sadd.s32 s4, s19  }
0x9c: {  	s7 =	simm.s32 $0x0;
	s20 =	sshll.u32 s5, $0x1;
	s5 =	sadd.s32 s21, s3  }
0x9d: {  	[timem:s7], [sflag:s22] =	dma.local [hbm:s5], s20  }
0x9e: {  	_ =	swait.ge [sflag:s22], s20  }
0x9f: {  	s4 =	ssub.s32 $0x0, s20;
	[sflag:s22] =	ssyncset.done $0x0  }
0xa0: {  	[sflag:s22] =	ssyncadd.s32 s4;
	_ =	sdelay $0x1  }
0xa1: {  	s23 =	simm.s32 $0x1B8B  }
0xa2: {  	_ =	swait.ge [sflag:s23], $0x1  }
0xa3: {  	[sflag:s23] =	ssyncset.done $0x0  }
0xa4: {  	s25 =	simm.s32 $0x1B8E;
	s24 =	sld [smem:$0x3FFE];
	[sflag:s23] =	ssyncadd.s32 $0xFFFFFFFF  }
0xa5: {  	s26 =	simm.s32 $execute0_lowered;
	[smem:$0x3FD2] =	sst s25  }
0xa6: {  	s5 =	sshll.u32 s26, $0x1;
	_ =	strace $0x80000046;
	[dreg:$0x1] =	wrdreg $0xFFFFFFFF  }
0xa7: {  	s28 =	simm.s32 $_size_execute0_lowered;
	s3 =	sadd.s32 s3, s5;
	[dreg:$0x0] =	wrdreg $0x0  }
0xa8: {  	s5 =	sshll.u32 s28, $0x1;
	[dreg:$0x2] =	wrdreg s3  }
0xa9: {  	[dreg:$0x3] =	wrdreg s5  }
0xaa: {  	[dreg:$0x4] =	wrdreg $0xC0  }
0xab: {  	_ =	task [dreg:s7], $0x5FFFF  }
0xac: {  	[dreg:$0x1] =	wrdreg $0xFFFFFFFF  }
0xad: {  	[dreg:$0x0] =	wrdreg $0x60  }
0xae: {  	[dreg:$0x2] =	wrdreg s24  }
0xaf: {  	[dreg:$0x3] =	wrdreg s2  }
0xb0: {  	[dreg:$0x4] =	wrdreg $0x10000  }
0xb1: {  	[dreg:$0x5] =	wrdreg $0x9  }
0xb2: {  	_ =	task.clear_ibuf [dreg:s7], $0x6FFFF;
	_ =	strace $0x90000046  }
0xb3: {  	s29 =	simm.s32 $0x9;
	_ =	strace $0x80000048  }
0xb4: {  	_ =	swait.ge [sflag:s29], $0x1  }
0xb5: {  	[sflag:s29] =	ssyncadd.s32 $0xFFFFFFFF  }
0xb6: {  	_ =	strace $0x90000048  }
0xb7: {  	_ =	sfence  }
0xb8: {  	s30 =	sld [smem:$0x0];
	_ =	sdelay $0x2  }
0xb9: {  	s31 =	sshll.u32 s1, $0xD;
	s1 =	sshrl.u32 s1, $0x2  }
0xba: {  	s3 =	sand.u32 $0x4000, s31;
	s1 =	sadd.s32 s1, s30  }
0xbb: {  	s0 =	sor.u32 s3, s0;
	s1 =	sshll.u32 s1, $0x11  }
0xbc: {  	s0 =	sor.u32 s1, s0  }
0xbd: {  	s0 =	sadd.s32 $0x8F2B, s0  }
0xbe: {  	[sflag:s0] =	ssyncadd.remote.s32 $0x1  }
0xbf: {  	_ =	sfence.sel $0xFFFF  }
0xc0: {  	[dreg:$0x0] =	wrdreg $0xFFFFFFFF;
	(pc) =	sbr.abs _section_cstart, $3  }
0xc1: {  	[dreg:$0x1] =	wrdreg $0xFFFFFFFF  }
0xc2: {  	_ =	task.clear_ibuf [dreg:s7], $0x2FFFF;
	_ =	strace $0x9FFFFFFF  }
0xc3: {  	(tm) =	ssettm $0x7FFFFFFF  }
tec
execute0_lowered:
.L_overlay_start_1:
0x0: {  	(tag) =	ssettag $0x1  }
0x1: {  	s5 =	rddreg [dreg:$0x0]  }
0x2: {  	s0 =	srdreg.scid;
	s2 =	rddreg [dreg:$0x1]  }
0x3: {  	s3 =	rddreg [dreg:$0x2];
	s6 =	sand.u32 $0x1, s0  }
0x4: {  	s0 =	stileid.u32;
	s7 =	smul.u32 $0xC3500, s6  }
0x5: {  	s1 =	rddreg [dreg:$0x3];
	s4 =	simm.s32 $0x0;
	s8 =	smul.u32 $0xC350, s0  }
0x6: {  	s13 =	simm.s32 $0x7D0;
	s14 =	simm.s32 $0x0;
	s9 =	smul.u32 $0x1880, s0  }
0x7: {  	[smem:$0x7FF] =	sst s4;
	s28 =	smul.u32 $0x18800, s6;
	s6 =	ssub.s32 $0x2, s6  }
0x8: {  	_ =	strace $0x80000047;
	s31 =	sshll.u32 s0, $0x6;
	s11 =	sshrl.u32 s6, $0x1  }
0x9: {  	s7 =	sadd.s32 s8, s7;
	s29 =	sadd.s32 s9, s28;
	s30 =	sshrl.u32 s9, $0x3  }
0xa: {  	s11 =	ssub.s32 s6, s11;
	s12 =	sadd.s32 s9, s3;
	s7 =	sshrl.u32 s7, $0x3  }
0xb: {  	s8 =	sadd.s32 s30, s5;
	s10 =	sadd.s32 s7, s5;
	s7 =	sshrl.u32 s29, $0x3  }
0xc: {  	s9 =	simm.s32 $0x1;
	s7 =	sadd.s32 s7, s5;
	s5 =	sadd.s32 $0x64600, s8  }
0xd: {  	s8 =	sadd.s32 $0x2A00, s10;
	s10 =	sor.u32 $0x1C01, s31;
	s6 =	sadd.s32 $0x67800, s7  }
0xe: {  	s7 =	smax.u32 s11, $0x1;
	s11 =	sshrl.u32 s12, $0x3;
	s12 =	simm.s32 $0x800  }
.LBB2_1:
0xf: {  	[tilespmem:s4], [sflag:$0x1] =	stream.linear.gather [hbm4b:s2+s4], $0x800, $0x38;
	[tilespmem:$0x2880] =	vst v63  }
0x10: {  	_ =	swait.ge [sflag:s9], $0x800  }
0x11: {  	[sflag:s9] =	ssyncset.done $0x0  }
0x12: {  	[sflag:s9] =	ssyncadd.s32 $0xFFFFF800  }
0x13: {  	[spmem:s11], [sflag:s10] =	dma.local [hbm:s5], $0x310  }
0x14: {  	_ =	swait.ge [sflag:s9], $0x310  }
0x15: {  	[sflag:s9] =	ssyncset.done $0x0  }
0x16: {  	[sflag:s9] =	ssyncadd.s32 $0xFFFFFCF0  }
0x17: {  	s15 =	sadd.s32 $0x0, s8;
	[bflag:$0x0] =	sbarrier.arrive $0xFFFF  }
0x18: {  	[tilespmem:s12], [sflag:$0x1] =	stream.linear.gather [hbm4b:s15+s4], $0x7D0, $0x38;
	[tilespmem:$0x2880] =	vst v63  }
0x19: {  	_ =	swait.ge [sflag:s9], $0x7D0  }
0x1a: {  	[sflag:s9] =	ssyncset.done $0x0  }
0x1b: {  	[sflag:s9] =	ssyncadd.s32 $0xFFFFF830  }
0x1c: {  	[spmem:s3] =	stream.indirect.scatter.add.f32 [tilespmem:s4], [sflag:$0x1], $0x1, s12, s13, $0xb8;
	[tilespmem:$0x2880] =	vst v63  }
0x1d: {  	_ =	swait.ge [sflag:s9], $0x7D0  }
0x1e: {  	s16 =	simm.s32 $0x1F4;
	s15 =	simm.s32 $0xFA;
	[sflag:s9] =	ssyncset.done $0x0  }
.LBB2_2:
0x1f: {  	s17 =	sadd.s32 s15, s8  }
0x20: {  	[sflag:s9] =	ssyncadd.s32 $0xFFFFF830;
	s15 =	smov.u32 s16;
	s18 =	sadd.s32 $0xFA, s16  }
0x21: {  	[tilespmem:s12], [sflag:$0x1] =	stream.linear.gather [hbm4b:s17+s4], $0x7D0, $0x38;
	[tilespmem:$0x2880] =	vst v63  }
0x22: {  	p0 =	sne.s32 s16, $0x1770;
	_ =	swait.ge [sflag:s9], $0x7D0  }
.Ltmp0:
0x23: {  	[sflag:s9] =	ssyncset.done $0x0;
	(pc) =	sbr.rel @p0 .LBB2_2-.Ltmp0, $4  }
0x24: {  	[sflag:s9] =	ssyncadd.s32 $0xFFFFF830  }
0x25: {  	[spmem:s3] =	stream.indirect.scatter.add.f32 [tilespmem:s4], [sflag:$0x1], $0x1, s12, s13, $0xb8;
	[tilespmem:$0x2880] =	vst v63  }
0x26: {  	_ =	swait.ge [sflag:s9], $0x7D0  }
0x27: {  	s16 =	smov.u32 s18;
	[sflag:s9] =	ssyncset.done $0x0  }
0x28: {  	s15 =	sadd.s32 s15, s8;
	[sflag:s9] =	ssyncadd.s32 $0xFFFFF830  }
0x29: {  	[tilespmem:s12], [sflag:$0x1] =	stream.linear.gather [hbm4b:s15+s4], $0x7D0, $0x38;
	[tilespmem:$0x2880] =	vst v63  }
0x2a: {  	_ =	swait.ge [sflag:s9], $0x7D0  }
0x2b: {  	[sflag:s9] =	ssyncset.done $0x0  }
0x2c: {  	[sflag:s9] =	ssyncadd.s32 $0xFFFFF830  }
0x2d: {  	[spmem:s3] =	stream.indirect.scatter.add.f32 [tilespmem:s4], [sflag:$0x1], $0x1, s12, s13, $0xb8;
	[tilespmem:$0x2880] =	vst v63  }
0x2e: {  	_ =	swait.ge [sflag:s9], $0x7D0  }
0x2f: {  	s14 =	sadd.s32 $0x1, s14;
	[sflag:s9] =	ssyncset.done $0x0  }
0x30: {  	p0 =	sne.s32 s14, s7;
	[sflag:s9] =	ssyncadd.s32 $0xFFFFF830  }
.Ltmp1:
0x31: {  	[bflag:$0x0] =	sbarrier.arrive $0xFFFF;
	(pc) =	sbr.rel @p0 .LBB2_1-.Ltmp1, $4  }
0x32: {  	[hbm:s6], [sflag:s10] =	dma.local [spmem:s11], $0x310  }
0x33: {  	_ =	swait.ge [sflag:s9], $0x310  }
0x34: {  	[sflag:s9] =	ssyncset.done $0x0  }
0x35: {  	[sflag:s9] =	ssyncadd.s32 $0xFFFFFCF0  }
0x36: {  	_ =	sfence.sel $0x180000  }
0x37: {  	[bflag:$0x0] =	sbarrier.arrive $0xFFFF  }
0x38: {  	p0 =	sne.s32 s0, $0x0;
	_ =	strace $0x90000047  }
0x39: {  	s0 =	sadd.s32 @!p0 $0x100000, s1;
	[bflag:$0x2] =	sbarrier.arrive $0xFFFF  }
0x3a: {  	[sflag:s0] =	ssyncadd.tile.s32 @!p0 $0x1;
	_ =	shalt  }
.Lfunc_end2:
_tile_overlayer_lowered:
.L_overlay_start_2:
0x3b: {  	(tag) =	ssettag $0x2  }
0x3c: {  	s0 =	rddreg [dreg:$0x0];
	s2 =	stileid.u32  }
0x3d: {  	s1 =	rddreg [dreg:$0x1];
	p0 =	sne.s32 s2, $0x0  }
0x3e: {  	s3 =	rddreg [dreg:$0x2];
	[bflag:$0x3] =	sbarrier.arrive $0xFFFF;
	s2 =	simm.s32 @!p0 $0x1C01  }
0x3f: {  	[timem:s3], [sflag:s2] =	dma.local @!p0 [hbm:s0], s1  }
0x40: {  	s0 =	simm.s32 @!p0 $0x1  }
0x41: {  	_ =	swait.ge @!p0 [sflag:s0], s1  }
0x42: {  	s1 =	ssub.s32 @!p0 $0x0, s1;
	[sflag:s0] =	ssyncset.done @!p0 $0x0  }
0x43: {  	[sflag:s0] =	ssyncadd.s32 @!p0 s1  }
0x44: {  	[bflag:$0x3] =	sbarrier.arrive $0xFFFF  }
0x45: {  	_ =	shalt  }

</sc_bundles>
